<compile_context>
chip_gen: v7x
topology: tpu7x:2x2x1
jax: 0.10.2.dev20260603
libtpu: 0.0.44.dev20260713+nightly
codegen_flags: <defaults>
</compile_context>

<pallas_src>
import dataclasses
import functools

import jax
import jax.numpy as jnp
from jax import lax
from jax.experimental import pallas as pl
from jax.experimental.pallas import tpu as pltpu
from jax.experimental.pallas import tpu_sc as plsc

B = 1024
FEAT = 128
K = 256
KP = K + 1
KPAD = 272
M = B * KPAD
N_DATA = 100000
TEMP = 0.07
MOM = 0.5
EPS = 1e-07
RESIDUAL = K / N_DATA

NC = 2
NS = 16
LANES = 16
NW = NC * NS
SAMP_PW = B // NW
CHUNK = SAMP_PW * KPAD
GW = 128


def _vector_mesh():
    return plsc.VectorSubcoreMesh(core_axis_name="c", subcore_axis_name="s")


def _sc_compiler_params():
    cp = pltpu.CompilerParams()
    if "needs_layout_passes" in pltpu.CompilerParams.__dataclass_fields__:
        cp = dataclasses.replace(cp, needs_layout_passes=False)
    return cp



def _tc_embed(fs_s, fs_t, W_s, b_s, W_t, b_t):
    def body(fss_ref, fst_ref, ws_ref, bs_ref, wt_ref, bt_ref, fs_out, ft_out):
        x = lax.dot_general(fss_ref[...], ws_ref[...], (((1,), (1,)), ((), ())),
                            preferred_element_type=jnp.float32,
                            precision=lax.Precision.HIGHEST)
        x = x + bs_ref[...]
        n = jnp.sqrt(jnp.sum(x * x, axis=1, keepdims=True))
        fs_out[...] = x / jnp.maximum(n, 1e-12)
        y = lax.dot_general(fst_ref[...], wt_ref[...], (((1,), (1,)), ((), ())),
                            preferred_element_type=jnp.float32,
                            precision=lax.Precision.HIGHEST)
        y = y + bt_ref[...]
        m = jnp.sqrt(jnp.sum(y * y, axis=1, keepdims=True))
        ft_out[...] = y / jnp.maximum(m, 1e-12)

    return pl.pallas_call(
        body,
        out_shape=[jax.ShapeDtypeStruct((B, FEAT), jnp.float32),
                   jax.ShapeDtypeStruct((B, FEAT), jnp.float32)],
    )(fs_s, fs_t, W_s, b_s, W_t, b_t)


NB = 32


def _tc_dots(W1, W2, f_s, f_t):
    def body(w1_ref, w2_ref, fs_ref, ft_ref, rt_ref, rs_ref, us_ref, ut_ref):
        w1 = w1_ref[...]
        w2 = w2_ref[...]
        fs = fs_ref[...]
        ft = ft_ref[...]
        rt_ref[...] = jnp.sum(w1 * ft[:, None, :], axis=2)
        rs_ref[...] = jnp.sum(w2 * fs[:, None, :], axis=2)
        pos_s = w1[:, 0, :]
        pos_t = w2[:, 0, :]
        us = pos_s * MOM + fs * (1.0 - MOM)
        us_ref[...] = us / jnp.sqrt(jnp.sum(us * us, axis=1, keepdims=True))
        ut = pos_t * MOM + ft * (1.0 - MOM)
        ut_ref[...] = ut / jnp.sqrt(jnp.sum(ut * ut, axis=1, keepdims=True))

    return pl.pallas_call(
        body,
        grid=(B // NB,),
        in_specs=[
            pl.BlockSpec((NB, KPAD, FEAT), lambda i: (i, 0, 0)),
            pl.BlockSpec((NB, KPAD, FEAT), lambda i: (i, 0, 0)),
            pl.BlockSpec((NB, FEAT), lambda i: (i, 0)),
            pl.BlockSpec((NB, FEAT), lambda i: (i, 0)),
        ],
        out_specs=[
            pl.BlockSpec((NB, KPAD), lambda i: (i, 0)),
            pl.BlockSpec((NB, KPAD), lambda i: (i, 0)),
            pl.BlockSpec((NB, FEAT), lambda i: (i, 0)),
            pl.BlockSpec((NB, FEAT), lambda i: (i, 0)),
        ],
        out_shape=[jax.ShapeDtypeStruct((B, KPAD), jnp.float32),
                   jax.ShapeDtypeStruct((B, KPAD), jnp.float32),
                   jax.ShapeDtypeStruct((B, FEAT), jnp.float32),
                   jax.ShapeDtypeStruct((B, FEAT), jnp.float32)],
    )(W1, W2, f_s, f_t)


def _tc_umm(f_s, f_t, upd_s, upd_t):
    def body(fs_ref, ft_ref, us_ref, ut_ref, utT_ref, usT_ref):
        utT_ref[...] = lax.dot_general(
            ft_ref[...], us_ref[...], (((1,), (1,)), ((), ())),
            preferred_element_type=jnp.float32, precision=lax.Precision.HIGHEST)
        usT_ref[...] = lax.dot_general(
            fs_ref[...], ut_ref[...], (((1,), (1,)), ((), ())),
            preferred_element_type=jnp.float32, precision=lax.Precision.HIGHEST)

    return pl.pallas_call(
        body,
        out_shape=[jax.ShapeDtypeStruct((B, B), jnp.float32),
                   jax.ShapeDtypeStruct((B, B), jnp.float32)],
    )(f_s, f_t, upd_s, upd_t)


def _tc_loss(R_t, R_s, V, Pt, Ps):
    def body(rt_ref, rs_ref, v_ref, pt_ref, ps_ref, out_ref):
        col = lax.broadcasted_iota(jnp.int32, (B, KPAD), 1)
        valid_col = col < KP
        neg_col = (col >= 1) & valid_col
        v = v_ref[...]
        dt = jnp.where(v > 0.5, pt_ref[...], rt_ref[...])
        dsv = jnp.where(v > 0.5, ps_ref[...], rs_ref[...])
        et = jnp.where(valid_col, jnp.exp(dt * (1.0 / TEMP)), 0.0)
        es = jnp.where(valid_col, jnp.exp(dsv * (1.0 / TEMP)), 0.0)
        z_s = jnp.sum(es) * (N_DATA / (B * KP))
        z_t = jnp.sum(et) * (N_DATA / (B * KP))
        o_s = es / z_s
        o_t = et / z_t
        pos_s = o_s[:, 0:1]
        pos_t = o_t[:, 0:1]
        logD1_s = jnp.log(pos_s / (pos_s + RESIDUAL + EPS))
        logD1_t = jnp.log(pos_t / (pos_t + RESIDUAL + EPS))
        lt_s = jnp.log(RESIDUAL / (o_s + RESIDUAL + EPS))
        lt_t = jnp.log(RESIDUAL / (o_t + RESIDUAL + EPS))
        logD0_s = jnp.sum(jnp.where(neg_col, lt_s, 0.0), axis=1, keepdims=True)
        logD0_t = jnp.sum(jnp.where(neg_col, lt_t, 0.0), axis=1, keepdims=True)
        s_loss = -jnp.sum(logD1_s + logD0_s) * (1.0 / B)
        t_loss = -jnp.sum(logD1_t + logD0_t) * (1.0 / B)
        out_ref[...] = jnp.reshape(s_loss + t_loss, (1, 1))

    return pl.pallas_call(
        body,
        out_shape=jax.ShapeDtypeStruct((1, 1), jnp.float32),
    )(R_t, R_s, V, Pt, Ps)



def _sc_gather_rows(table, idx2d):
    @functools.partial(
        pl.kernel,
        out_type=jax.ShapeDtypeStruct((M, FEAT), jnp.float32),
        mesh=_vector_mesh(),
    )
    def k(table_hbm, idx_hbm, out_hbm):
        def body(i_vmem, o_vmem):
            pltpu.sync_copy(table_hbm.at[i_vmem.at[0]], o_vmem)

        pltpu.emit_pipeline(
            body,
            grid=(M // GW,),
            in_specs=[pl.BlockSpec((1, GW), lambda i: (0, i))],
            out_specs=[pl.BlockSpec((GW, FEAT), lambda i: (i, 0))],
            core_axis_name=("c", "s"),
            dimension_semantics=(pltpu.PARALLEL,),
        )(idx_hbm, out_hbm)

    return k(table, idx2d)


def _sc_build_table(idx):
    @functools.partial(
        pl.kernel,
        out_type=jax.ShapeDtypeStruct((N_DATA,), jnp.int32),
        mesh=_vector_mesh(),
        compiler_params=_sc_compiler_params(),
        scratch_types=[pltpu.VMEM((B,), jnp.int32),
                       pltpu.VMEM((N_DATA,), jnp.int32)],
    )
    def k(idx_hbm, tbl_hbm, idx_v, tbl_v):
        wid = lax.axis_index("s") * NC + lax.axis_index("c")

        @pl.when(wid == 0)
        def _():
            pltpu.sync_copy(idx_hbm, idx_v)

            @pl.loop(0, B // LANES)
            def _(bb):
                iv = idx_v[pl.ds(bb * LANES, LANES)]
                vals = lax.iota(jnp.int32, LANES) + bb * LANES
                plsc.store_scatter(tbl_v, [iv], vals)

            pltpu.sync_copy(tbl_v, tbl_hbm)

    return k(idx)


def _sc_patch(table, idx_full_flat, idx, utT, usT):
    @functools.partial(
        pl.kernel,
        out_type=(jax.ShapeDtypeStruct((M,), jnp.float32),
                  jax.ShapeDtypeStruct((M,), jnp.float32),
                  jax.ShapeDtypeStruct((M,), jnp.float32)),
        mesh=_vector_mesh(),
        compiler_params=_sc_compiler_params(),
        scratch_types=[
            pltpu.VMEM((B,), jnp.int32),
            pltpu.VMEM((CHUNK,), jnp.int32),
            pltpu.VMEM((CHUNK,), jnp.int32),
            pltpu.VMEM((SAMP_PW, B), jnp.float32),
            pltpu.VMEM((SAMP_PW, B), jnp.float32),
            pltpu.VMEM((CHUNK,), jnp.float32),
            pltpu.VMEM((CHUNK,), jnp.float32),
            pltpu.VMEM((CHUNK,), jnp.float32),
            pltpu.SemaphoreType.DMA,
        ],
    )
    def k(tbl_hbm, ifull_hbm, idx_hbm, utT_hbm, usT_hbm,
          v_hbm, pt_hbm, ps_hbm,
          idxall_v, ifull_v, cand_v, urt_v, urs_v, v_v, pt_v, ps_v, sem):
        wid = lax.axis_index("s") * NC + lax.axis_index("c")
        b0 = wid * SAMP_PW
        off0 = wid * CHUNK
        pltpu.sync_copy(idx_hbm, idxall_v)
        pltpu.sync_copy(ifull_hbm.at[pl.ds(off0, CHUNK)], ifull_v)
        pltpu.sync_copy(utT_hbm.at[pl.ds(b0, SAMP_PW)], urt_v)
        pltpu.sync_copy(usT_hbm.at[pl.ds(b0, SAMP_PW)], urs_v)

        @pl.loop(0, CHUNK // GW)
        def _(kk):
            sl = pl.ds(kk * GW, GW)
            pltpu.async_copy(tbl_hbm.at[ifull_v.at[sl]], cand_v.at[sl], sem)

        pltpu.make_async_copy(tbl_hbm.at[pl.ds(0, CHUNK)], cand_v, sem).wait()

        one = jnp.float32(1.0)
        zero = jnp.float32(0.0)

        @pl.loop(0, SAMP_PW)
        def _(t):
            rows = jnp.full((LANES,), t, jnp.int32)

            @pl.loop(0, KPAD // LANES)
            def _(g):
                off = t * KPAD + g * LANES
                c = cand_v[pl.ds(off, LANES)]
                cc = jnp.clip(c, 0, B - 1)
                iv = plsc.load_gather(idxall_v, [cc])
                jf = ifull_v[pl.ds(off, LANES)]
                valid = (iv == jf) & (c >= 0) & (c < B)
                ptv = plsc.load_gather(urt_v, [rows, cc])
                psv = plsc.load_gather(urs_v, [rows, cc])
                v_v[pl.ds(off, LANES)] = jnp.where(valid, one, zero)
                pt_v[pl.ds(off, LANES)] = ptv
                ps_v[pl.ds(off, LANES)] = psv

        pltpu.sync_copy(v_v, v_hbm.at[pl.ds(off0, CHUNK)])
        pltpu.sync_copy(pt_v, pt_hbm.at[pl.ds(off0, CHUNK)])
        pltpu.sync_copy(ps_v, ps_hbm.at[pl.ds(off0, CHUNK)])

    return k(table, idx_full_flat, idx, utT, usT)



def kernel(fs_s, fs_t, idx, contrast_idx, W_s, b_s, W_t, b_t, memory_v1, memory_v2):
    idx = idx.astype(jnp.int32)
    contrast_idx = contrast_idx.astype(jnp.int32)

    f_s, f_t = _tc_embed(fs_s, fs_t, W_s, b_s.reshape(1, FEAT),
                         W_t, b_t.reshape(1, FEAT))

    pad = jnp.zeros((B, KPAD - KP), jnp.int32)
    idx_full = jnp.concatenate([idx[:, None], contrast_idx, pad], axis=1)

    W1 = _sc_gather_rows(memory_v1, idx_full.reshape(1, M))
    W2 = _sc_gather_rows(memory_v2, idx_full.reshape(1, M))

    R_t, R_s, upd_s, upd_t = _tc_dots(W1.reshape(B, KPAD, FEAT),
                                      W2.reshape(B, KPAD, FEAT), f_s, f_t)
    U_tT, U_sT = _tc_umm(f_s, f_t, upd_s, upd_t)

    table = _sc_build_table(idx)
    V, Pt, Ps = _sc_patch(table, idx_full.reshape(M), idx, U_tT, U_sT)

    loss = _tc_loss(R_t, R_s, V.reshape(B, KPAD), Pt.reshape(B, KPAD),
                    Ps.reshape(B, KPAD))
    return loss.reshape(())

# --- scband reference (transcript-rebuilt; emitter-appended) ---
"""Pipeline reference for scband-crdloss-15685220565755 (READ-ONLY COPY).

The authoritative reference and input builder live on the scoring server;
editing this copy changes nothing except your own understanding.
"""

import jax, jax.numpy as jnp
import numpy as np

B = 1024
S_DIM = 512
T_DIM = 512
FEAT = 128
K = 256
N_DATA = 100000
TEMP = 0.07
MOM = 0.5
EPS = 1e-07
RESIDUAL = K / N_DATA


def setup_inputs(seed: int = 0) -> dict:
    key = jax.random.key(seed)
    ks = jax.random.split(key, 8)
    fs_s = jax.random.normal(ks[0], (B, S_DIM), dtype=jnp.float32)
    fs_t = jax.random.normal(ks[1], (B, T_DIM), dtype=jnp.float32)
    idx = jax.random.randint(ks[2], (B,), 0, N_DATA, dtype=jnp.int64) if jax.config.jax_enable_x64 else jax.random.randint(ks[2], (B,), 0, N_DATA, dtype=jnp.int32)
    contrast_idx = jax.random.randint(ks[3], (B, K), 0, N_DATA, dtype=jnp.int32)
    W_s = jax.random.normal(ks[4], (FEAT, S_DIM), dtype=jnp.float32) * 0.02
    b_s = jnp.zeros((FEAT,), dtype=jnp.float32)
    W_t = jax.random.normal(ks[5], (FEAT, T_DIM), dtype=jnp.float32) * 0.02
    b_t = jnp.zeros((FEAT,), dtype=jnp.float32)
    stdv = 1.0 / np.sqrt(FEAT / 3)
    memory_v1 = jax.random.uniform(ks[6], (N_DATA, FEAT), dtype=jnp.float32, minval=-stdv, maxval=stdv)
    memory_v2 = jax.random.uniform(ks[7], (N_DATA, FEAT), dtype=jnp.float32, minval=-stdv, maxval=stdv)
    return {"fs_s": fs_s, "fs_t": fs_t, "idx": idx, "contrast_idx": contrast_idx,
            "W_s": W_s, "b_s": b_s, "W_t": W_t, "b_t": b_t,
            "memory_v1": memory_v1, "memory_v2": memory_v2}


def _l2_normalize(x):
    n = jnp.linalg.norm(x, axis=1, keepdims=True)
    return x / jnp.maximum(n, 1e-12)


def _contrast_loss(x):
    P_pos = x[:, 0]
    log_D1 = jnp.log(P_pos / (P_pos + RESIDUAL + EPS))
    P_neg = x[:, 1:]
    log_D0 = jnp.log(RESIDUAL / (P_neg + RESIDUAL + EPS)).sum(1)
    return -(log_D1 + log_D0).mean()


def reference(fs_s, fs_t, idx, contrast_idx, W_s, b_s, W_t, b_t, memory_v1, memory_v2):
    # student / teacher embeddings (single layer each)
    f_s = _l2_normalize(fs_s @ W_s.T + b_s)
    f_t = _l2_normalize(fs_t @ W_t.T + b_t)

    # ---- ContrastMemory: update positives (no_grad) then gather K+1 rows ----
    s_pos = memory_v1[idx] * MOM + f_s * (1.0 - MOM)
    updated_s = s_pos / jnp.linalg.norm(s_pos, axis=1, keepdims=True)
    mem1 = jax.lax.stop_gradient(memory_v1.at[idx].set(updated_s))

    t_pos = memory_v2[idx] * MOM + f_t * (1.0 - MOM)
    updated_t = t_pos / jnp.linalg.norm(t_pos, axis=1, keepdims=True)
    mem2 = jax.lax.stop_gradient(memory_v2.at[idx].set(updated_t))

    idx_full = jnp.concatenate([idx[:, None], contrast_idx], axis=1)  # (B, K+1)
    weight_s = jnp.take(mem1, idx_full, axis=0)  # (B, K+1, FEAT)
    weight_t = jnp.take(mem2, idx_full, axis=0)

    out_t = jnp.exp(jnp.einsum('bkf,bf->bk', weight_s, f_t) / TEMP)
    out_s = jnp.exp(jnp.einsum('bkf,bf->bk', weight_t, f_s) / TEMP)

    # Z normalizers (detached in torch via .detach().cpu().numpy())
    Z_v1 = jax.lax.stop_gradient(out_s.mean()) * N_DATA
    Z_v2 = jax.lax.stop_gradient(out_t.mean()) * N_DATA
    out_s = out_s / Z_v1
    out_t = out_t / Z_v2

    s_loss = _contrast_loss(out_s)
    t_loss = _contrast_loss(out_t)
    loss = 1.0 * (s_loss + t_loss)  # crd_weight[0][0] == 1.0
    return loss

if __name__ == "__main__":
    import jax
    _d = setup_inputs()
    print(jax.jit(kernel)(*tuple(_d.values())))

</pallas_src>

<mosaic_0001>
#map = affine_map<(d0, d1) -> (0)>
#map1 = affine_map<(d0, d1) -> (0, 0)>
module attributes {stable_mosaic.version = 14 : i64} {
  func.func @k(%arg0: i32, %arg1: i32, %arg2: memref<100000xi32, #tpu.memory_space<hbm>>, %arg3: memref<278528xi32, #tpu.memory_space<hbm>>, %arg4: memref<1024xi32, #tpu.memory_space<hbm>>, %arg5: memref<1024x1024xf32, #tpu.memory_space<hbm>>, %arg6: memref<1024x1024xf32, #tpu.memory_space<hbm>>, %arg7: memref<278528xf32, #tpu.memory_space<hbm>>, %arg8: memref<278528xf32, #tpu.memory_space<hbm>>, %arg9: memref<278528xf32, #tpu.memory_space<hbm>>, %arg10: memref<1024xi32, #tpu.memory_space<vmem>>, %arg11: memref<8704xi32, #tpu.memory_space<vmem>>, %arg12: memref<8704xi32, #tpu.memory_space<vmem>>, %arg13: memref<32x1024xf32, #tpu.memory_space<vmem>>, %arg14: memref<32x1024xf32, #tpu.memory_space<vmem>>, %arg15: memref<8704xf32, #tpu.memory_space<vmem>>, %arg16: memref<8704xf32, #tpu.memory_space<vmem>>, %arg17: memref<8704xf32, #tpu.memory_space<vmem>>, %arg18: memref<!tpu.dma_semaphore, #tpu.memory_space<semaphore_mem>>) attributes {dimension_semantics = [#tpu.dimension_semantics<core_parallel>, #tpu.dimension_semantics<subcore_parallel>], iteration_bounds = array<i64: 2, 16>, scalar_prefetch = 0 : i64, scratch_operands = 9 : i64, tpu.core_type = #tpu.core_type<sc_vector_subcore>, window_params = [{transform_indices = #map}, {transform_indices = #map}, {transform_indices = #map}, {transform_indices = #map1}, {transform_indices = #map1}, {transform_indices = #map}, {transform_indices = #map}, {transform_indices = #map}]} {
    %mul3A = arith.constant 2 : i32
    %mul3A_0 = arith.muli %arg1, %mul3A : i32
    %add3A = arith.addi %mul3A_0, %arg0 : i32
    %mul3A_1 = arith.constant 32 : i32
    %mul3A_2 = arith.muli %add3A, %mul3A_1 : i32
    %mul3A_3 = arith.constant 8704 : i32
    %mul3A_4 = arith.muli %add3A, %mul3A_3 : i32
    "tpu.region"() ({
      %run_scoped3A = tpu.sem_alloc : memref<!tpu.dma_semaphore, #tpu.memory_space<semaphore_mem>>
      tpu.enqueue_dma source(%arg4 : memref<1024xi32, #tpu.memory_space<hbm>>) target(%arg10 : memref<1024xi32, #tpu.memory_space<vmem>>) target_semaphore(%run_scoped3A : memref<!tpu.dma_semaphore, #tpu.memory_space<semaphore_mem>>)
      tpu.wait_dma2 semaphore(%run_scoped3A : memref<!tpu.dma_semaphore, #tpu.memory_space<semaphore_mem>>) src(%arg4 : memref<1024xi32, #tpu.memory_space<hbm>>) dst(%arg10 : memref<1024xi32, #tpu.memory_space<vmem>>)
      tpu.yield
    }) : () -> ()
    "tpu.region"() ({
      %run_scoped3A = tpu.sem_alloc : memref<!tpu.dma_semaphore, #tpu.memory_space<semaphore_mem>>
      %dma_start3A = tpu.memref_slice %arg3[%mul3A_4] : memref<278528xi32, #tpu.memory_space<hbm>> -> memref<8704xi32, #tpu.memory_space<hbm>>
      %dma_start3A_19 = tpu.memref_slice %arg3[%mul3A_4] : memref<278528xi32, #tpu.memory_space<hbm>> -> memref<8704xi32, #tpu.memory_space<hbm>>
      tpu.enqueue_dma source(%dma_start3A_19 : memref<8704xi32, #tpu.memory_space<hbm>>) target(%arg11 : memref<8704xi32, #tpu.memory_space<vmem>>) target_semaphore(%run_scoped3A : memref<!tpu.dma_semaphore, #tpu.memory_space<semaphore_mem>>)
      %dma_wait3A_20 = tpu.memref_slice %arg3[%mul3A_4] : memref<278528xi32, #tpu.memory_space<hbm>> -> memref<8704xi32, #tpu.memory_space<hbm>>
      %dma_wait3A_21 = tpu.memref_slice %arg3[%mul3A_4] : memref<278528xi32, #tpu.memory_space<hbm>> -> memref<8704xi32, #tpu.memory_space<hbm>>
      tpu.wait_dma2 semaphore(%run_scoped3A : memref<!tpu.dma_semaphore, #tpu.memory_space<semaphore_mem>>) src(%dma_wait3A_21 : memref<8704xi32, #tpu.memory_space<hbm>>) dst(%arg11 : memref<8704xi32, #tpu.memory_space<vmem>>)
      tpu.yield
    }) : () -> ()
    "tpu.region"() ({
      %run_scoped3A = tpu.sem_alloc : memref<!tpu.dma_semaphore, #tpu.memory_space<semaphore_mem>>
      %dma_start3A = arith.constant 0 : i32
      %dma_start3A_19 = tpu.memref_slice %arg5[%mul3A_2, %dma_start3A] : memref<1024x1024xf32, #tpu.memory_space<hbm>> -> memref<32x1024xf32, #tpu.memory_space<hbm>>
      %dma_start3A_20 = arith.constant 0 : i32
      %dma_start3A_21 = tpu.memref_slice %arg5[%mul3A_2, %dma_start3A_20] : memref<1024x1024xf32, #tpu.memory_space<hbm>> -> memref<32x1024xf32, #tpu.memory_space<hbm>>
      tpu.enqueue_dma source(%dma_start3A_21 : memref<32x1024xf32, #tpu.memory_space<hbm>>) target(%arg13 : memref<32x1024xf32, #tpu.memory_space<vmem>>) target_semaphore(%run_scoped3A : memref<!tpu.dma_semaphore, #tpu.memory_space<semaphore_mem>>)
      %dma_wait3A_22 = arith.constant 0 : i32
      %dma_wait3A_23 = tpu.memref_slice %arg5[%mul3A_2, %dma_wait3A_22] : memref<1024x1024xf32, #tpu.memory_space<hbm>> -> memref<32x1024xf32, #tpu.memory_space<hbm>>
      %dma_wait3A_24 = arith.constant 0 : i32
      %dma_wait3A_25 = tpu.memref_slice %arg5[%mul3A_2, %dma_wait3A_24] : memref<1024x1024xf32, #tpu.memory_space<hbm>> -> memref<32x1024xf32, #tpu.memory_space<hbm>>
      tpu.wait_dma2 semaphore(%run_scoped3A : memref<!tpu.dma_semaphore, #tpu.memory_space<semaphore_mem>>) src(%dma_wait3A_25 : memref<32x1024xf32, #tpu.memory_space<hbm>>) dst(%arg13 : memref<32x1024xf32, #tpu.memory_space<vmem>>)
      tpu.yield
    }) : () -> ()
    "tpu.region"() ({
      %run_scoped3A = tpu.sem_alloc : memref<!tpu.dma_semaphore, #tpu.memory_space<semaphore_mem>>
      %dma_start3A = arith.constant 0 : i32
      %dma_start3A_19 = tpu.memref_slice %arg6[%mul3A_2, %dma_start3A] : memref<1024x1024xf32, #tpu.memory_space<hbm>> -> memref<32x1024xf32, #tpu.memory_space<hbm>>
      %dma_start3A_20 = arith.constant 0 : i32
      %dma_start3A_21 = tpu.memref_slice %arg6[%mul3A_2, %dma_start3A_20] : memref<1024x1024xf32, #tpu.memory_space<hbm>> -> memref<32x1024xf32, #tpu.memory_space<hbm>>
      tpu.enqueue_dma source(%dma_start3A_21 : memref<32x1024xf32, #tpu.memory_space<hbm>>) target(%arg14 : memref<32x1024xf32, #tpu.memory_space<vmem>>) target_semaphore(%run_scoped3A : memref<!tpu.dma_semaphore, #tpu.memory_space<semaphore_mem>>)
      %dma_wait3A_22 = arith.constant 0 : i32
      %dma_wait3A_23 = tpu.memref_slice %arg6[%mul3A_2, %dma_wait3A_22] : memref<1024x1024xf32, #tpu.memory_space<hbm>> -> memref<32x1024xf32, #tpu.memory_space<hbm>>
      %dma_wait3A_24 = arith.constant 0 : i32
      %dma_wait3A_25 = tpu.memref_slice %arg6[%mul3A_2, %dma_wait3A_24] : memref<1024x1024xf32, #tpu.memory_space<hbm>> -> memref<32x1024xf32, #tpu.memory_space<hbm>>
      tpu.wait_dma2 semaphore(%run_scoped3A : memref<!tpu.dma_semaphore, #tpu.memory_space<semaphore_mem>>) src(%dma_wait3A_25 : memref<32x1024xf32, #tpu.memory_space<hbm>>) dst(%arg14 : memref<32x1024xf32, #tpu.memory_space<vmem>>)
      tpu.yield
    }) : () -> ()
    %scan3A = arith.constant 0 : i32
    %scan3A_5 = arith.constant 68 : i32
    %scan3A_6 = arith.addi %scan3A, %scan3A_5 : i32
    %scan3A_7 = arith.constant 1 : i32
    scf.for %scan3A_19 = %scan3A to %scan3A_6 step %scan3A_7  : i32 {
      %mul3A_20 = arith.constant 1 : i32
      %mul3A_21 = arith.muli %scan3A_19, %mul3A_20 : i32
      %add3A_22 = arith.constant 0 : i32
      %add3A_23 = arith.addi %add3A_22, %mul3A_21 : i32
      %mul3A_24 = arith.constant 128 : i32
      %mul3A_25 = arith.muli %add3A_23, %mul3A_24 : i32
      %dma_start3A = tpu.memref_slice %arg12[%mul3A_25] : memref<8704xi32, #tpu.memory_space<vmem>> -> memref<128xi32, #tpu.memory_space<vmem>>
      %dma_start3A_26 = tpu.memref_slice %arg11[%mul3A_25] : memref<8704xi32, #tpu.memory_space<vmem>> -> memref<128xi32, #tpu.memory_space<vmem>>
      %dma_start3A_27 = arith.constant 0 : i32
      %dma_start3A_28 = tpu.memref_slice %arg2[%dma_start3A_27] : memref<100000xi32, #tpu.memory_space<hbm>> -> memref<100000xi32, #tpu.memory_space<hbm>>
      tpu.enqueue_indirect_dma source(%dma_start3A_28 : memref<100000xi32, #tpu.memory_space<hbm>>) target(%dma_start3A : memref<128xi32, #tpu.memory_space<vmem>>) offsets(%dma_start3A_26 : memref<128xi32, #tpu.memory_space<vmem>>) semaphore(%arg18 : memref<!tpu.dma_semaphore, #tpu.memory_space<semaphore_mem>>)
    }
    %scan3A_8 = arith.constant 68 : i32
    %dma_wait3A = arith.constant 0 : i32
    %dma_wait3A_9 = tpu.memref_slice %arg2[%dma_wait3A] : memref<100000xi32, #tpu.memory_space<hbm>> -> memref<8704xi32, #tpu.memory_space<hbm>>
    %dma_wait3A_10 = arith.constant 0 : i32
    %dma_wait3A_11 = tpu.memref_slice %arg2[%dma_wait3A_10] : memref<100000xi32, #tpu.memory_space<hbm>> -> memref<8704xi32, #tpu.memory_space<hbm>>
    tpu.wait_dma2 semaphore(%arg18 : memref<!tpu.dma_semaphore, #tpu.memory_space<semaphore_mem>>) src(%dma_wait3A_11 : memref<8704xi32, #tpu.memory_space<hbm>>) dst(%arg12 : memref<8704xi32, #tpu.memory_space<vmem>>)
    %scan3A_12 = arith.constant 1.000000e+00 : f32
    %scan3A_13 = arith.constant 0.000000e+00 : f32
    %scan3A_14 = arith.constant 0 : i32
    %scan3A_15 = arith.constant 32 : i32
    %scan3A_16 = arith.addi %scan3A_14, %scan3A_15 : i32
    %scan3A_17 = arith.constant 1 : i32
    scf.for %scan3A_19 = %scan3A_14 to %scan3A_16 step %scan3A_17  : i32 {
      %mul3A_20 = arith.constant 1 : i32
      %mul3A_21 = arith.muli %scan3A_19, %mul3A_20 : i32
      %add3A_22 = arith.constant 0 : i32
      %add3A_23 = arith.addi %add3A_22, %mul3A_21 : i32
      %broadcast_in_dim3A = vector.broadcast %add3A_23 : i32 to vector<16xi32>
      %scan3A_24 = arith.constant 0 : i32
      %scan3A_25 = arith.constant 17 : i32
      %scan3A_26 = arith.addi %scan3A_24, %scan3A_25 : i32
      %scan3A_27 = arith.constant 1 : i32
      scf.for %scan3A_29 = %scan3A_24 to %scan3A_26 step %scan3A_27  : i32 {
        %mul3A_30 = arith.constant 1 : i32
        %mul3A_31 = arith.muli %scan3A_29, %mul3A_30 : i32
        %add3A_32 = arith.constant 0 : i32
        %add3A_33 = arith.addi %add3A_32, %mul3A_31 : i32
        %mul3A_34 = arith.constant 272 : i32
        %mul3A_35 = arith.muli %add3A_23, %mul3A_34 : i32
        %mul3A_36 = arith.constant 16 : i32
        %mul3A_37 = arith.muli %add3A_33, %mul3A_36 : i32
        %add3A_38 = arith.addi %mul3A_35, %mul3A_37 : i32
        %get3A = arith.index_cast %add3A_38 : i32 to index
        %get3A_39 = tpu.vector_load %arg12[%get3A] {strides = array<i32>} : memref<8704xi32, #tpu.memory_space<vmem>>, vector<16xi32>,
        %jit3A = arith.constant 0 : i32
        %jit3A_40 = arith.constant 1023 : i32
        %max3A = vector.broadcast %jit3A : i32 to vector<16xi32>
        %max3A_41 = arith.maxsi %max3A, %get3A_39 : vector<16xi32>
        %min3A = vector.broadcast %jit3A_40 : i32 to vector<16xi32>
        %min3A_42 = arith.minsi %min3A, %max3A_41 : vector<16xi32>
        %gather3A = tpu.vector_load_idx %arg10[%min3A_42] : memref<1024xi32, #tpu.memory_space<vmem>>[vector<16xi32>], vector<16xi32>,
        %get3A_43 = arith.index_cast %add3A_38 : i32 to index
        %get3A_44 = tpu.vector_load %arg11[%get3A_43] {strides = array<i32>} : memref<8704xi32, #tpu.memory_space<vmem>>, vector<16xi32>,
        %eq3A = arith.cmpi eq, %gather3A, %get3A_44 : vector<16xi32>
        %ge3A = arith.constant 0 : i32
        %ge3A_45 = vector.broadcast %ge3A : i32 to vector<16xi32>
        %ge3A_46 = arith.cmpi sge, %get3A_39, %ge3A_45 : vector<16xi32>
        %and3A = arith.andi %eq3A, %ge3A_46 : vector<16xi1>
        %lt3A = arith.constant 1024 : i32
        %lt3A_47 = vector.broadcast %lt3A : i32 to vector<16xi32>
        %lt3A_48 = arith.cmpi slt, %get3A_39, %lt3A_47 : vector<16xi32>
        %and3A_49 = arith.andi %and3A, %lt3A_48 : vector<16xi1>
        %gather3A_50 = tpu.vector_load_idx %arg13[%broadcast_in_dim3A, %min3A_42] : memref<32x1024xf32, #tpu.memory_space<vmem>>[vector<16xi32>, vector<16xi32>], vector<16xf32>,
        %gather3A_51 = tpu.vector_load_idx %arg14[%broadcast_in_dim3A, %min3A_42] : memref<32x1024xf32, #tpu.memory_space<vmem>>[vector<16xi32>, vector<16xi32>], vector<16xf32>,
        %broadcast_in_dim3A_52 = vector.broadcast %scan3A_12 : f32 to vector<16xf32>
        %broadcast_in_dim3A_53 = vector.broadcast %scan3A_13 : f32 to vector<16xf32>
        %select_n3A = arith.select %and3A_49, %broadcast_in_dim3A_52, %broadcast_in_dim3A_53 : vector<16xi1>, vector<16xf32>
        %swap3A = arith.index_cast %add3A_38 : i32 to index
        %swap3A_54 = tpu.vector_load %arg15[%swap3A] {strides = array<i32>} : memref<8704xf32, #tpu.memory_space<vmem>>, vector<16xf32>,
        tpu.vector_store %arg15[%swap3A], %select_n3A {strides = array<i32>} : memref<8704xf32, #tpu.memory_space<vmem>>, vector<16xf32>,
        %swap3A_55 = arith.index_cast %add3A_38 : i32 to index
        %swap3A_56 = tpu.vector_load %arg16[%swap3A_55] {strides = array<i32>} : memref<8704xf32, #tpu.memory_space<vmem>>, vector<16xf32>,
        tpu.vector_store %arg16[%swap3A_55], %gather3A_50 {strides = array<i32>} : memref<8704xf32, #tpu.memory_space<vmem>>, vector<16xf32>,
        %swap3A_57 = arith.index_cast %add3A_38 : i32 to index
        %swap3A_58 = tpu.vector_load %arg17[%swap3A_57] {strides = array<i32>} : memref<8704xf32, #tpu.memory_space<vmem>>, vector<16xf32>,
        tpu.vector_store %arg17[%swap3A_57], %gather3A_51 {strides = array<i32>} : memref<8704xf32, #tpu.memory_space<vmem>>, vector<16xf32>,
      }
      %scan3A_28 = arith.constant 17 : i32
    }
    %scan3A_18 = arith.constant 32 : i32
    "tpu.region"() ({
      %run_scoped3A = tpu.sem_alloc : memref<!tpu.dma_semaphore, #tpu.memory_space<semaphore_mem>>
      %dma_start3A = tpu.memref_slice %arg7[%mul3A_4] : memref<278528xf32, #tpu.memory_space<hbm>> -> memref<8704xf32, #tpu.memory_space<hbm>>
      %dma_start3A_19 = tpu.memref_slice %arg7[%mul3A_4] : memref<278528xf32, #tpu.memory_space<hbm>> -> memref<8704xf32, #tpu.memory_space<hbm>>
      tpu.enqueue_dma source(%arg15 : memref<8704xf32, #tpu.memory_space<vmem>>) target(%dma_start3A_19 : memref<8704xf32, #tpu.memory_space<hbm>>) target_semaphore(%run_scoped3A : memref<!tpu.dma_semaphore, #tpu.memory_space<semaphore_mem>>)
      %dma_wait3A_20 = tpu.memref_slice %arg7[%mul3A_4] : memref<278528xf32, #tpu.memory_space<hbm>> -> memref<8704xf32, #tpu.memory_space<hbm>>
      %dma_wait3A_21 = tpu.memref_slice %arg7[%mul3A_4] : memref<278528xf32, #tpu.memory_space<hbm>> -> memref<8704xf32, #tpu.memory_space<hbm>>
      tpu.wait_dma2 semaphore(%run_scoped3A : memref<!tpu.dma_semaphore, #tpu.memory_space<semaphore_mem>>) src(%arg15 : memref<8704xf32, #tpu.memory_space<vmem>>) dst(%dma_wait3A_21 : memref<8704xf32, #tpu.memory_space<hbm>>)
      tpu.yield
    }) : () -> ()
    "tpu.region"() ({
      %run_scoped3A = tpu.sem_alloc : memref<!tpu.dma_semaphore, #tpu.memory_space<semaphore_mem>>
      %dma_start3A = tpu.memref_slice %arg8[%mul3A_4] : memref<278528xf32, #tpu.memory_space<hbm>> -> memref<8704xf32, #tpu.memory_space<hbm>>
      %dma_start3A_19 = tpu.memref_slice %arg8[%mul3A_4] : memref<278528xf32, #tpu.memory_space<hbm>> -> memref<8704xf32, #tpu.memory_space<hbm>>
      tpu.enqueue_dma source(%arg16 : memref<8704xf32, #tpu.memory_space<vmem>>) target(%dma_start3A_19 : memref<8704xf32, #tpu.memory_space<hbm>>) target_semaphore(%run_scoped3A : memref<!tpu.dma_semaphore, #tpu.memory_space<semaphore_mem>>)
      %dma_wait3A_20 = tpu.memref_slice %arg8[%mul3A_4] : memref<278528xf32, #tpu.memory_space<hbm>> -> memref<8704xf32, #tpu.memory_space<hbm>>
      %dma_wait3A_21 = tpu.memref_slice %arg8[%mul3A_4] : memref<278528xf32, #tpu.memory_space<hbm>> -> memref<8704xf32, #tpu.memory_space<hbm>>
      tpu.wait_dma2 semaphore(%run_scoped3A : memref<!tpu.dma_semaphore, #tpu.memory_space<semaphore_mem>>) src(%arg16 : memref<8704xf32, #tpu.memory_space<vmem>>) dst(%dma_wait3A_21 : memref<8704xf32, #tpu.memory_space<hbm>>)
      tpu.yield
    }) : () -> ()
    "tpu.region"() ({
      %run_scoped3A = tpu.sem_alloc : memref<!tpu.dma_semaphore, #tpu.memory_space<semaphore_mem>>
      %dma_start3A = tpu.memref_slice %arg9[%mul3A_4] : memref<278528xf32, #tpu.memory_space<hbm>> -> memref<8704xf32, #tpu.memory_space<hbm>>
      %dma_start3A_19 = tpu.memref_slice %arg9[%mul3A_4] : memref<278528xf32, #tpu.memory_space<hbm>> -> memref<8704xf32, #tpu.memory_space<hbm>>
      tpu.enqueue_dma source(%arg17 : memref<8704xf32, #tpu.memory_space<vmem>>) target(%dma_start3A_19 : memref<8704xf32, #tpu.memory_space<hbm>>) target_semaphore(%run_scoped3A : memref<!tpu.dma_semaphore, #tpu.memory_space<semaphore_mem>>)
      %dma_wait3A_20 = tpu.memref_slice %arg9[%mul3A_4] : memref<278528xf32, #tpu.memory_space<hbm>> -> memref<8704xf32, #tpu.memory_space<hbm>>
      %dma_wait3A_21 = tpu.memref_slice %arg9[%mul3A_4] : memref<278528xf32, #tpu.memory_space<hbm>> -> memref<8704xf32, #tpu.memory_space<hbm>>
      tpu.wait_dma2 semaphore(%run_scoped3A : memref<!tpu.dma_semaphore, #tpu.memory_space<semaphore_mem>>) src(%arg17 : memref<8704xf32, #tpu.memory_space<vmem>>) dst(%dma_wait3A_21 : memref<8704xf32, #tpu.memory_space<hbm>>)
      tpu.yield
    }) : () -> ()
    return
  }
}

#map = affine_map<(d0, d1) -> (0, 0)>
module attributes {stable_mosaic.version = 14 : i64} {
  func.func @k(%arg0: i32, %arg1: i32, %arg2: memref<100000x128xf32, #tpu.memory_space<hbm>>, %arg3: memref<1x278528xi32, #tpu.memory_space<hbm>>, %arg4: memref<278528x128xf32, #tpu.memory_space<hbm>>) attributes {dimension_semantics = [#tpu.dimension_semantics<core_parallel>, #tpu.dimension_semantics<subcore_parallel>], iteration_bounds = array<i64: 2, 16>, scalar_prefetch = 0 : i64, scratch_operands = 0 : i64, tpu.core_type = #tpu.core_type<sc_vector_subcore>, window_params = [{transform_indices = #map}, {transform_indices = #map}, {transform_indices = #map}]} {
    %mul3A = arith.constant 1 : i32
    %mul3A_0 = arith.muli %arg1, %mul3A : i32
    %add3A = arith.constant 0 : i32
    %add3A_1 = arith.addi %add3A, %mul3A_0 : i32
    %mul3A_2 = arith.constant 16 : i32
    %mul3A_3 = arith.muli %arg0, %mul3A_2 : i32
    %add3A_4 = arith.addi %add3A_1, %mul3A_3 : i32
    %mul3A_5 = arith.constant 68 : i32
    %mul3A_6 = arith.muli %add3A_4, %mul3A_5 : i32
    "tpu.region"() ({
      %run_scoped3A = memref.alloca() : memref<2x1x128xi32, #tpu.memory_space<vmem>>
      %run_scoped3A_7 = tpu.sem_alloc : memref<2x!tpu.dma_semaphore, #tpu.memory_space<semaphore_mem>>
      %run_scoped3A_8 = memref.alloca() : memref<2x128x128xf32, #tpu.memory_space<vmem>>
      %run_scoped3A_9 = tpu.sem_alloc : memref<2x!tpu.dma_semaphore, #tpu.memory_space<semaphore_mem>>
      %add3A_10 = arith.constant 0 : i32
      %add3A_11 = arith.addi %add3A_10, %mul3A_6 : i32
      %select_n3A = arith.constant true
      %select_n3A_12 = arith.constant 0 : i32
      %select_n3A_13 = arith.constant -1 : i32
      %select_n3A_14 = arith.select %select_n3A, %select_n3A_13, %select_n3A_12 : i32
      %eq3A = arith.constant -1 : i32
      %eq3A_15 = arith.cmpi eq, %select_n3A_14, %eq3A : i32
      %select_n3A_16 = arith.constant 67 : i32
      %select_n3A_17 = arith.select %eq3A_15, %select_n3A_16, %select_n3A_14 : i32
      %add3A_18 = arith.addi %select_n3A_17, %mul3A_6 : i32
      %select_n3A_19 = arith.constant true
      %select_n3A_20 = arith.constant 0 : i32
      %select_n3A_21 = arith.constant 1 : i32
      %select_n3A_22 = arith.select %select_n3A_19, %select_n3A_21, %select_n3A_20 : i32
      %eq3A_23 = arith.constant 68 : i32
      %eq3A_24 = arith.cmpi eq, %select_n3A_22, %eq3A_23 : i32
      %select_n3A_25 = arith.constant 0 : i32
      %select_n3A_26 = arith.select %eq3A_24, %select_n3A_25, %select_n3A_22 : i32
      %add3A_27 = arith.addi %select_n3A_26, %mul3A_6 : i32
      %add3A_28 = arith.constant 1 : i32
      %add3A_29 = arith.addi %select_n3A_26, %add3A_28 : i32
      %select_n3A_30 = arith.constant true
      %select_n3A_31 = arith.select %select_n3A_30, %add3A_29, %select_n3A_26 : i32
      %eq3A_32 = arith.constant 68 : i32
      %eq3A_33 = arith.cmpi eq, %select_n3A_31, %eq3A_32 : i32
      %select_n3A_34 = arith.constant 0 : i32
      %select_n3A_35 = arith.select %eq3A_33, %select_n3A_34, %select_n3A_31 : i32
      %add3A_36 = arith.addi %select_n3A_35, %mul3A_6 : i32
      "tpu.trace_start"() <{level = 10 : i32, message = "ep_initialize_0"}> : () -> ()
      %rem3A = arith.constant 0 : i32
      %rem3A_37 = arith.constant 2 : i32
      %rem3A_38 = arith.remui %rem3A, %rem3A_37 : i32
      %mul3A_39 = arith.constant 128 : i32
      %mul3A_40 = arith.muli %mul3A_39, %add3A_11 : i32
      %dma_start3A = arith.constant 0 : i32
      %dma_start3A_41 = arith.constant 0 : i32
      %dma_start3A_42 = tpu.memref_slice %run_scoped3A[%rem3A_38, %dma_start3A, %dma_start3A_41] : memref<2x1x128xi32, #tpu.memory_space<vmem>> -> memref<1x1x128xi32, #tpu.memory_space<vmem>>
      %dma_start3A_43 = tpu.memref_squeeze %dma_start3A_42 : memref<1x1x128xi32, #tpu.memory_space<vmem>> -> memref<1x128xi32, #tpu.memory_space<vmem>>
      %dma_start3A_44 = arith.constant 0 : i32
      %dma_start3A_45 = tpu.memref_slice %arg3[%dma_start3A_44, %mul3A_40] : memref<1x278528xi32, #tpu.memory_space<hbm>> -> memref<1x128xi32, #tpu.memory_space<hbm>>
      %dma_start3A_46 = tpu.memref_slice %run_scoped3A_7[%rem3A_38] : memref<2x!tpu.dma_semaphore, #tpu.memory_space<semaphore_mem>> -> memref<1x!tpu.dma_semaphore, #tpu.memory_space<semaphore_mem>>
      %dma_start3A_47 = tpu.memref_squeeze %dma_start3A_46 : memref<1x!tpu.dma_semaphore, #tpu.memory_space<semaphore_mem>> -> memref<!tpu.dma_semaphore, #tpu.memory_space<semaphore_mem>>
      %dma_start3A_48 = arith.constant 0 : i32
      %dma_start3A_49 = arith.constant 0 : i32
      %dma_start3A_50 = tpu.memref_slice %run_scoped3A[%rem3A_38, %dma_start3A_48, %dma_start3A_49] : memref<2x1x128xi32, #tpu.memory_space<vmem>> -> memref<1x1x128xi32, #tpu.memory_space<vmem>>
      %dma_start3A_51 = tpu.memref_squeeze %dma_start3A_50 : memref<1x1x128xi32, #tpu.memory_space<vmem>> -> memref<1x128xi32, #tpu.memory_space<vmem>>
      %dma_start3A_52 = arith.constant 0 : i32
      %dma_start3A_53 = tpu.memref_slice %arg3[%dma_start3A_52, %mul3A_40] : memref<1x278528xi32, #tpu.memory_space<hbm>> -> memref<1x128xi32, #tpu.memory_space<hbm>>
      tpu.enqueue_dma source(%dma_start3A_53 : memref<1x128xi32, #tpu.memory_space<hbm>>) target(%dma_start3A_51 : memref<1x128xi32, #tpu.memory_space<vmem>>) target_semaphore(%dma_start3A_47 : memref<!tpu.dma_semaphore, #tpu.memory_space<semaphore_mem>>)
      %add3A_54 = arith.constant 0 : i32
      %add3A_55 = arith.constant 1 : i32
      %add3A_56 = arith.addi %add3A_54, %add3A_55 : i32
      %select_n3A_57 = arith.constant true
      %select_n3A_58 = arith.constant 0 : i32
      %select_n3A_59 = arith.select %select_n3A_57, %add3A_56, %select_n3A_58 : i32
      "tpu.trace_stop"() : () -> ()
      %scan3A = arith.constant 0 : i32
      %scan3A_60 = arith.constant 0 : i32
      %scan3A_61 = arith.constant 0 : i32
      %scan3A_62 = arith.constant 0 : i32
      %scan3A_63 = arith.constant 0 : i32
      %scan3A_64 = arith.constant 68 : i32
      %scan3A_65 = arith.addi %scan3A_63, %scan3A_64 : i32
      %scan3A_66 = arith.constant 1 : i32
      %scan3A_67:5 = scf.for %scan3A_121 = %scan3A_63 to %scan3A_65 step %scan3A_66 iter_args(%scan3A_122 = %select_n3A_59, %scan3A_123 = %scan3A, %scan3A_124 = %scan3A_60, %scan3A_125 = %scan3A_61, %scan3A_126 = %scan3A_62) -> (i32, i32, i32, i32, i32)  : i32 {
        %eq3A_127 = arith.constant 0 : i32
        %eq3A_128 = arith.cmpi eq, %scan3A_121, %eq3A_127 : i32
        %eq3A_129 = arith.constant 67 : i32
        %eq3A_130 = arith.cmpi eq, %scan3A_121, %eq3A_129 : i32
        %add3A_131 = arith.addi %scan3A_126, %mul3A_6 : i32
        %sub3A_132 = arith.constant 1 : i32
        %sub3A_133 = arith.subi %scan3A_126, %sub3A_132 : i32
        %select_n3A_134 = arith.constant true
        %select_n3A_135 = arith.select %select_n3A_134, %sub3A_133, %scan3A_126 : i32
        %eq3A_136 = arith.constant -1 : i32
        %eq3A_137 = arith.cmpi eq, %select_n3A_135, %eq3A_136 : i32
        %select_n3A_138 = arith.constant 67 : i32
        %select_n3A_139 = arith.select %eq3A_137, %select_n3A_138, %select_n3A_135 : i32
        %add3A_140 = arith.addi %select_n3A_139, %mul3A_6 : i32
        %add3A_141 = arith.constant 1 : i32
        %add3A_142 = arith.addi %scan3A_126, %add3A_141 : i32
        %select_n3A_143 = arith.constant true
        %select_n3A_144 = arith.select %select_n3A_143, %add3A_142, %scan3A_126 : i32
        %eq3A_145 = arith.constant 68 : i32
        %eq3A_146 = arith.cmpi eq, %select_n3A_144, %eq3A_145 : i32
        %select_n3A_147 = arith.constant 0 : i32
        %select_n3A_148 = arith.select %eq3A_146, %select_n3A_147, %select_n3A_144 : i32
        %add3A_149 = arith.addi %select_n3A_148, %mul3A_6 : i32
        %add3A_150 = arith.constant 1 : i32
        %add3A_151 = arith.addi %select_n3A_148, %add3A_150 : i32
        %select_n3A_152 = arith.constant true
        %select_n3A_153 = arith.select %select_n3A_152, %add3A_151, %select_n3A_148 : i32
        %eq3A_154 = arith.constant 68 : i32
        %eq3A_155 = arith.cmpi eq, %select_n3A_153, %eq3A_154 : i32
        %select_n3A_156 = arith.constant 0 : i32
        %select_n3A_157 = arith.select %eq3A_155, %select_n3A_156, %select_n3A_153 : i32
        %add3A_158 = arith.addi %select_n3A_157, %mul3A_6 : i32
        %ne3A = arith.cmpi ne, %add3A_131, %add3A_149 : i32
        %or3A = arith.constant false
        %or3A_159 = arith.ori %or3A, %ne3A : i1
        %ge3A = arith.constant 67 : i32
        %ge3A_160 = arith.cmpi sge, %scan3A_121, %ge3A : i32
        %not3A = arith.constant true
        %not3A_161 = arith.xori %ge3A_160, %not3A : i1
        %and3A = arith.andi %or3A_159, %not3A_161 : i1
        %convert_element_type3A = arith.extui %and3A : i1 to i32
        %cond3A = arith.constant 0 : i32
        %cond3A_162 = arith.cmpi ne, %convert_element_type3A, %cond3A : i32
        scf.if %cond3A_162 {
          "tpu.trace_start"() <{level = 10 : i32, message = "ep_copy_in"}> : () -> ()
          %rem3A_264 = arith.constant 2 : i32
          %rem3A_265 = arith.remui %scan3A_122, %rem3A_264 : i32
          %mul3A_266 = arith.constant 128 : i32
          %mul3A_267 = arith.muli %mul3A_266, %add3A_149 : i32
          %dma_start3A_268 = arith.constant 0 : i32
          %dma_start3A_269 = arith.constant 0 : i32
          %dma_start3A_270 = tpu.memref_slice %run_scoped3A[%rem3A_265, %dma_start3A_268, %dma_start3A_269] : memref<2x1x128xi32, #tpu.memory_space<vmem>> -> memref<1x1x128xi32, #tpu.memory_space<vmem>>
          %dma_start3A_271 = tpu.memref_squeeze %dma_start3A_270 : memref<1x1x128xi32, #tpu.memory_space<vmem>> -> memref<1x128xi32, #tpu.memory_space<vmem>>
          %dma_start3A_272 = arith.constant 0 : i32
          %dma_start3A_273 = tpu.memref_slice %arg3[%dma_start3A_272, %mul3A_267] : memref<1x278528xi32, #tpu.memory_space<hbm>> -> memref<1x128xi32, #tpu.memory_space<hbm>>
          %dma_start3A_274 = tpu.memref_slice %run_scoped3A_7[%rem3A_265] : memref<2x!tpu.dma_semaphore, #tpu.memory_space<semaphore_mem>> -> memref<1x!tpu.dma_semaphore, #tpu.memory_space<semaphore_mem>>
          %dma_start3A_275 = tpu.memref_squeeze %dma_start3A_274 : memref<1x!tpu.dma_semaphore, #tpu.memory_space<semaphore_mem>> -> memref<!tpu.dma_semaphore, #tpu.memory_space<semaphore_mem>>
          %dma_start3A_276 = arith.constant 0 : i32
          %dma_start3A_277 = arith.constant 0 : i32
          %dma_start3A_278 = tpu.memref_slice %run_scoped3A[%rem3A_265, %dma_start3A_276, %dma_start3A_277] : memref<2x1x128xi32, #tpu.memory_space<vmem>> -> memref<1x1x128xi32, #tpu.memory_space<vmem>>
          %dma_start3A_279 = tpu.memref_squeeze %dma_start3A_278 : memref<1x1x128xi32, #tpu.memory_space<vmem>> -> memref<1x128xi32, #tpu.memory_space<vmem>>
          %dma_start3A_280 = arith.constant 0 : i32
          %dma_start3A_281 = tpu.memref_slice %arg3[%dma_start3A_280, %mul3A_267] : memref<1x278528xi32, #tpu.memory_space<hbm>> -> memref<1x128xi32, #tpu.memory_space<hbm>>
          tpu.enqueue_dma source(%dma_start3A_281 : memref<1x128xi32, #tpu.memory_space<hbm>>) target(%dma_start3A_279 : memref<1x128xi32, #tpu.memory_space<vmem>>) target_semaphore(%dma_start3A_275 : memref<!tpu.dma_semaphore, #tpu.memory_space<semaphore_mem>>)
          "tpu.trace_stop"() : () -> ()
        } else {
        }
        %and3A_163 = arith.constant true
        %and3A_164 = arith.andi %and3A, %and3A_163 : i1
        %add3A_165 = arith.constant 1 : i32
        %add3A_166 = arith.addi %scan3A_122, %add3A_165 : i32
        %select_n3A_167 = arith.select %and3A_164, %add3A_166, %scan3A_122 : i32
        %ne3A_168 = arith.cmpi ne, %add3A_131, %add3A_149 : i32
        %or3A_169 = arith.constant false
        %or3A_170 = arith.ori %or3A_169, %ne3A_168 : i1
        %or3A_171 = arith.constant false
        %or3A_172 = arith.ori %or3A_170, %or3A_171 : i1
        %ge3A_173 = arith.constant 67 : i32
        %ge3A_174 = arith.cmpi sge, %scan3A_121, %ge3A_173 : i32
        %not3A_175 = arith.constant true
        %not3A_176 = arith.xori %ge3A_174, %not3A_175 : i1
        %and3A_177 = arith.andi %or3A_172, %not3A_176 : i1
        %ne3A_178 = arith.cmpi ne, %add3A_131, %add3A_140 : i32
        %or3A_179 = arith.constant false
        %or3A_180 = arith.ori %or3A_179, %ne3A_178 : i1
        %or3A_181 = arith.ori %or3A_180, %eq3A_128 : i1
        %convert_element_type3A_182 = arith.extui %or3A_181 : i1 to i32
        %cond3A_183 = arith.constant 0 : i32
        %cond3A_184 = arith.cmpi ne, %convert_element_type3A_182, %cond3A_183 : i32
        scf.if %cond3A_184 {
          "tpu.trace_start"() <{level = 10 : i32, message = "ep_wait_in"}> : () -> ()
          %mul3A_264 = arith.constant 128 : i32
          %mul3A_265 = arith.muli %mul3A_264, %add3A_131 : i32
          %rem3A_266 = arith.constant 2 : i32
          %rem3A_267 = arith.remui %scan3A_123, %rem3A_266 : i32
          %dma_wait3A_268 = arith.constant 0 : i32
          %dma_wait3A_269 = arith.constant 0 : i32
          %dma_wait3A_270 = tpu.memref_slice %run_scoped3A[%rem3A_267, %dma_wait3A_268, %dma_wait3A_269] : memref<2x1x128xi32, #tpu.memory_space<vmem>> -> memref<1x1x128xi32, #tpu.memory_space<vmem>>
          %dma_wait3A_271 = tpu.memref_squeeze %dma_wait3A_270 : memref<1x1x128xi32, #tpu.memory_space<vmem>> -> memref<1x128xi32, #tpu.memory_space<vmem>>
          %dma_wait3A_272 = arith.constant 0 : i32
          %dma_wait3A_273 = tpu.memref_slice %arg3[%dma_wait3A_272, %mul3A_265] : memref<1x278528xi32, #tpu.memory_space<hbm>> -> memref<1x128xi32, #tpu.memory_space<hbm>>
          %dma_wait3A_274 = tpu.memref_slice %run_scoped3A_7[%rem3A_267] : memref<2x!tpu.dma_semaphore, #tpu.memory_space<semaphore_mem>> -> memref<1x!tpu.dma_semaphore, #tpu.memory_space<semaphore_mem>>
          %dma_wait3A_275 = tpu.memref_squeeze %dma_wait3A_274 : memref<1x!tpu.dma_semaphore, #tpu.memory_space<semaphore_mem>> -> memref<!tpu.dma_semaphore, #tpu.memory_space<semaphore_mem>>
          %dma_wait3A_276 = arith.constant 0 : i32
          %dma_wait3A_277 = arith.constant 0 : i32
          %dma_wait3A_278 = tpu.memref_slice %run_scoped3A[%rem3A_267, %dma_wait3A_276, %dma_wait3A_277] : memref<2x1x128xi32, #tpu.memory_space<vmem>> -> memref<1x1x128xi32, #tpu.memory_space<vmem>>
          %dma_wait3A_279 = tpu.memref_squeeze %dma_wait3A_278 : memref<1x1x128xi32, #tpu.memory_space<vmem>> -> memref<1x128xi32, #tpu.memory_space<vmem>>
          %dma_wait3A_280 = arith.constant 0 : i32
          %dma_wait3A_281 = tpu.memref_slice %arg3[%dma_wait3A_280, %mul3A_265] : memref<1x278528xi32, #tpu.memory_space<hbm>> -> memref<1x128xi32, #tpu.memory_space<hbm>>
          tpu.wait_dma2 semaphore(%dma_wait3A_275 : memref<!tpu.dma_semaphore, #tpu.memory_space<semaphore_mem>>) src(%dma_wait3A_281 : memref<1x128xi32, #tpu.memory_space<hbm>>) dst(%dma_wait3A_279 : memref<1x128xi32, #tpu.memory_space<vmem>>)
          "tpu.trace_stop"() : () -> ()
        } else {
        }
        %ne3A_185 = arith.cmpi ne, %add3A_131, %add3A_140 : i32
        %or3A_186 = arith.constant false
        %or3A_187 = arith.ori %or3A_186, %ne3A_185 : i1
        %or3A_188 = arith.constant false
        %or3A_189 = arith.ori %or3A_187, %or3A_188 : i1
        %or3A_190 = arith.ori %or3A_189, %eq3A_128 : i1
        %convert_element_type3A_191 = arith.extui %or3A_190 : i1 to i32
        %cond3A_192 = arith.constant 0 : i32
        %cond3A_193 = arith.cmpi ne, %convert_element_type3A_191, %cond3A_192 : i32
        scf.if %cond3A_193 {
        } else {
        }
        %rem3A_194 = arith.constant 2 : i32
        %rem3A_195 = arith.remui %scan3A_123, %rem3A_194 : i32
        %rem3A_196 = arith.constant 2 : i32
        %rem3A_197 = arith.remui %scan3A_124, %rem3A_196 : i32
        %run_scoped3A_198 = arith.constant 0 : i32
        "tpu.trace_start"() <{level = 10 : i32, message = "ep_run_kernel"}> : () -> ()
        "tpu.region"() ({
          %run_scoped3A_264 = tpu.sem_alloc : memref<!tpu.dma_semaphore, #tpu.memory_space<semaphore_mem>>
          %dma_start3A_265 = arith.constant 0 : i32
          %dma_start3A_266 = arith.constant 0 : i32
          %dma_start3A_267 = tpu.memref_slice %run_scoped3A_8[%rem3A_197, %dma_start3A_265, %dma_start3A_266] : memref<2x128x128xf32, #tpu.memory_space<vmem>> -> memref<1x128x128xf32, #tpu.memory_space<vmem>>
          %dma_start3A_268 = tpu.memref_squeeze %dma_start3A_267 : memref<1x128x128xf32, #tpu.memory_space<vmem>> -> memref<128x128xf32, #tpu.memory_space<vmem>>
          %dma_start3A_269 = arith.constant 0 : i32
          %dma_start3A_270 = arith.constant 0 : i32
          %dma_start3A_271 = tpu.memref_slice %run_scoped3A[%rem3A_195, %dma_start3A_269, %dma_start3A_270] : memref<2x1x128xi32, #tpu.memory_space<vmem>> -> memref<1x1x128xi32, #tpu.memory_space<vmem>>
          %dma_start3A_272 = tpu.memref_squeeze %dma_start3A_271 : memref<1x1x128xi32, #tpu.memory_space<vmem>> -> memref<1x128xi32, #tpu.memory_space<vmem>>
          %dma_start3A_273 = arith.constant 0 : i32
          %dma_start3A_274 = tpu.memref_slice %dma_start3A_272[%run_scoped3A_198, %dma_start3A_273] : memref<1x128xi32, #tpu.memory_space<vmem>> -> memref<1x128xi32, #tpu.memory_space<vmem>>
          %dma_start3A_275 = tpu.memref_squeeze %dma_start3A_274 : memref<1x128xi32, #tpu.memory_space<vmem>> -> memref<128xi32, #tpu.memory_space<vmem>>
          %dma_start3A_276 = arith.constant 0 : i32
          %dma_start3A_277 = arith.constant 0 : i32
          %dma_start3A_278 = tpu.memref_slice %arg2[%dma_start3A_276, %dma_start3A_277] : memref<100000x128xf32, #tpu.memory_space<hbm>> -> memref<100000x128xf32, #tpu.memory_space<hbm>>
          tpu.enqueue_indirect_dma source(%dma_start3A_278 : memref<100000x128xf32, #tpu.memory_space<hbm>>) target(%dma_start3A_268 : memref<128x128xf32, #tpu.memory_space<vmem>>) offsets(%dma_start3A_275 : memref<128xi32, #tpu.memory_space<vmem>>) semaphore(%run_scoped3A_264 : memref<!tpu.dma_semaphore, #tpu.memory_space<semaphore_mem>>)
          %dma_wait3A_279 = arith.constant 0 : i32
          %dma_wait3A_280 = arith.constant 0 : i32
          %dma_wait3A_281 = tpu.memref_slice %run_scoped3A_8[%rem3A_197, %dma_wait3A_279, %dma_wait3A_280] : memref<2x128x128xf32, #tpu.memory_space<vmem>> -> memref<1x128x128xf32, #tpu.memory_space<vmem>>
          %dma_wait3A_282 = tpu.memref_squeeze %dma_wait3A_281 : memref<1x128x128xf32, #tpu.memory_space<vmem>> -> memref<128x128xf32, #tpu.memory_space<vmem>>
          %dma_wait3A_283 = arith.constant 0 : i32
          %dma_wait3A_284 = arith.constant 0 : i32
          %dma_wait3A_285 = tpu.memref_slice %run_scoped3A[%rem3A_195, %dma_wait3A_283, %dma_wait3A_284] : memref<2x1x128xi32, #tpu.memory_space<vmem>> -> memref<1x1x128xi32, #tpu.memory_space<vmem>>
          %dma_wait3A_286 = tpu.memref_squeeze %dma_wait3A_285 : memref<1x1x128xi32, #tpu.memory_space<vmem>> -> memref<1x128xi32, #tpu.memory_space<vmem>>
          %dma_wait3A_287 = arith.constant 0 : i32
          %dma_wait3A_288 = tpu.memref_slice %dma_wait3A_286[%run_scoped3A_198, %dma_wait3A_287] : memref<1x128xi32, #tpu.memory_space<vmem>> -> memref<1x128xi32, #tpu.memory_space<vmem>>
          %dma_wait3A_289 = tpu.memref_squeeze %dma_wait3A_288 : memref<1x128xi32, #tpu.memory_space<vmem>> -> memref<128xi32, #tpu.memory_space<vmem>>
          %dma_wait3A_290 = arith.constant 0 : i32
          %dma_wait3A_291 = arith.constant 0 : i32
          %dma_wait3A_292 = tpu.memref_slice %arg2[%dma_wait3A_290, %dma_wait3A_291] : memref<100000x128xf32, #tpu.memory_space<hbm>> -> memref<100000x128xf32, #tpu.memory_space<hbm>>
          tpu.wait_indirect_dma semaphore(%run_scoped3A_264 : memref<!tpu.dma_semaphore, #tpu.memory_space<semaphore_mem>>) src(%dma_wait3A_292 : memref<100000x128xf32, #tpu.memory_space<hbm>>) dst(%dma_wait3A_282 : memref<128x128xf32, #tpu.memory_space<vmem>>)
          tpu.yield
        }) : () -> ()
        "tpu.trace_stop"() : () -> ()
        %ne3A_199 = arith.cmpi ne, %add3A_131, %add3A_149 : i32
        %or3A_200 = arith.constant false
        %or3A_201 = arith.ori %or3A_200, %ne3A_199 : i1
        %or3A_202 = arith.ori %or3A_201, %eq3A_130 : i1
        %convert_element_type3A_203 = arith.extui %or3A_202 : i1 to i32
        %cond3A_204 = arith.constant 0 : i32
        %cond3A_205 = arith.cmpi ne, %convert_element_type3A_203, %cond3A_204 : i32
        scf.if %cond3A_205 {
        } else {
        }
        %and3A_206 = arith.constant false
        %and3A_207 = arith.andi %or3A_202, %and3A_206 : i1
        %ne3A_208 = arith.cmpi ne, %add3A_131, %add3A_149 : i32
        %or3A_209 = arith.constant false
        %or3A_210 = arith.ori %or3A_209, %ne3A_208 : i1
        %or3A_211 = arith.constant false
        %or3A_212 = arith.ori %or3A_210, %or3A_211 : i1
        %or3A_213 = arith.ori %or3A_212, %eq3A_130 : i1
        %convert_element_type3A_214 = arith.extui %or3A_213 : i1 to i32
        %cond3A_215 = arith.constant 0 : i32
        %cond3A_216 = arith.cmpi ne, %convert_element_type3A_214, %cond3A_215 : i32
        scf.if %cond3A_216 {
          "tpu.trace_start"() <{level = 10 : i32, message = "ep_copy_out"}> : () -> ()
          %rem3A_264 = arith.constant 2 : i32
          %rem3A_265 = arith.remui %scan3A_124, %rem3A_264 : i32
          %mul3A_266 = arith.constant 128 : i32
          %mul3A_267 = arith.muli %mul3A_266, %add3A_131 : i32
          %dma_start3A_268 = arith.constant 0 : i32
          %dma_start3A_269 = arith.constant 0 : i32
          %dma_start3A_270 = tpu.memref_slice %run_scoped3A_8[%rem3A_265, %dma_start3A_268, %dma_start3A_269] : memref<2x128x128xf32, #tpu.memory_space<vmem>> -> memref<1x128x128xf32, #tpu.memory_space<vmem>>
          %dma_start3A_271 = tpu.memref_squeeze %dma_start3A_270 : memref<1x128x128xf32, #tpu.memory_space<vmem>> -> memref<128x128xf32, #tpu.memory_space<vmem>>
          %dma_start3A_272 = arith.constant 0 : i32
          %dma_start3A_273 = tpu.memref_slice %arg4[%mul3A_267, %dma_start3A_272] : memref<278528x128xf32, #tpu.memory_space<hbm>> -> memref<128x128xf32, #tpu.memory_space<hbm>>
          %dma_start3A_274 = tpu.memref_slice %run_scoped3A_9[%rem3A_265] : memref<2x!tpu.dma_semaphore, #tpu.memory_space<semaphore_mem>> -> memref<1x!tpu.dma_semaphore, #tpu.memory_space<semaphore_mem>>
          %dma_start3A_275 = tpu.memref_squeeze %dma_start3A_274 : memref<1x!tpu.dma_semaphore, #tpu.memory_space<semaphore_mem>> -> memref<!tpu.dma_semaphore, #tpu.memory_space<semaphore_mem>>
          %dma_start3A_276 = arith.constant 0 : i32
          %dma_start3A_277 = tpu.memref_slice %arg4[%mul3A_267, %dma_start3A_276] : memref<278528x128xf32, #tpu.memory_space<hbm>> -> memref<128x128xf32, #tpu.memory_space<hbm>>
          %dma_start3A_278 = arith.constant 0 : i32
          %dma_start3A_279 = arith.constant 0 : i32
          %dma_start3A_280 = tpu.memref_slice %run_scoped3A_8[%rem3A_265, %dma_start3A_278, %dma_start3A_279] : memref<2x128x128xf32, #tpu.memory_space<vmem>> -> memref<1x128x128xf32, #tpu.memory_space<vmem>>
          %dma_start3A_281 = tpu.memref_squeeze %dma_start3A_280 : memref<1x128x128xf32, #tpu.memory_space<vmem>> -> memref<128x128xf32, #tpu.memory_space<vmem>>
          tpu.enqueue_dma source(%dma_start3A_281 : memref<128x128xf32, #tpu.memory_space<vmem>>) target(%dma_start3A_277 : memref<128x128xf32, #tpu.memory_space<hbm>>) target_semaphore(%dma_start3A_275 : memref<!tpu.dma_semaphore, #tpu.memory_space<semaphore_mem>>)
          "tpu.trace_stop"() : () -> ()
        } else {
        }
        %and3A_217 = arith.constant true
        %and3A_218 = arith.andi %or3A_213, %and3A_217 : i1
        %add3A_219 = arith.constant 1 : i32
        %add3A_220 = arith.addi %scan3A_124, %add3A_219 : i32
        %select_n3A_221 = arith.select %and3A_218, %add3A_220, %scan3A_124 : i32
        %ne3A_222 = arith.cmpi ne, %add3A_131, %add3A_140 : i32
        %or3A_223 = arith.constant false
        %or3A_224 = arith.ori %or3A_223, %ne3A_222 : i1
        %not3A_225 = arith.constant true
        %not3A_226 = arith.xori %eq3A_128, %not3A_225 : i1
        %and3A_227 = arith.andi %or3A_224, %not3A_226 : i1
        %convert_element_type3A_228 = arith.extui %and3A_227 : i1 to i32
        %cond3A_229 = arith.constant 0 : i32
        %cond3A_230 = arith.cmpi ne, %convert_element_type3A_228, %cond3A_229 : i32
        scf.if %cond3A_230 {
        } else {
        }
        %and3A_231 = arith.constant false
        %and3A_232 = arith.andi %and3A_227, %and3A_231 : i1
        %ne3A_233 = arith.cmpi ne, %add3A_131, %add3A_140 : i32
        %or3A_234 = arith.constant false
        %or3A_235 = arith.ori %or3A_234, %ne3A_233 : i1
        %or3A_236 = arith.constant false
        %or3A_237 = arith.ori %or3A_235, %or3A_236 : i1
        %not3A_238 = arith.constant true
        %not3A_239 = arith.xori %eq3A_128, %not3A_238 : i1
        %and3A_240 = arith.andi %or3A_237, %not3A_239 : i1
        %convert_element_type3A_241 = arith.extui %and3A_240 : i1 to i32
        %cond3A_242 = arith.constant 0 : i32
        %cond3A_243 = arith.cmpi ne, %convert_element_type3A_241, %cond3A_242 : i32
        scf.if %cond3A_243 {
          "tpu.trace_start"() <{level = 10 : i32, message = "ep_wait_out"}> : () -> ()
          %rem3A_264 = arith.constant 2 : i32
          %rem3A_265 = arith.remui %scan3A_125, %rem3A_264 : i32
          %mul3A_266 = arith.constant 128 : i32
          %mul3A_267 = arith.muli %mul3A_266, %add3A_140 : i32
          %dma_wait3A_268 = arith.constant 0 : i32
          %dma_wait3A_269 = arith.constant 0 : i32
          %dma_wait3A_270 = tpu.memref_slice %run_scoped3A_8[%rem3A_265, %dma_wait3A_268, %dma_wait3A_269] : memref<2x128x128xf32, #tpu.memory_space<vmem>> -> memref<1x128x128xf32, #tpu.memory_space<vmem>>
          %dma_wait3A_271 = tpu.memref_squeeze %dma_wait3A_270 : memref<1x128x128xf32, #tpu.memory_space<vmem>> -> memref<128x128xf32, #tpu.memory_space<vmem>>
          %dma_wait3A_272 = arith.constant 0 : i32
          %dma_wait3A_273 = tpu.memref_slice %arg4[%mul3A_267, %dma_wait3A_272] : memref<278528x128xf32, #tpu.memory_space<hbm>> -> memref<128x128xf32, #tpu.memory_space<hbm>>
          %dma_wait3A_274 = tpu.memref_slice %run_scoped3A_9[%rem3A_265] : memref<2x!tpu.dma_semaphore, #tpu.memory_space<semaphore_mem>> -> memref<1x!tpu.dma_semaphore, #tpu.memory_space<semaphore_mem>>
          %dma_wait3A_275 = tpu.memref_squeeze %dma_wait3A_274 : memref<1x!tpu.dma_semaphore, #tpu.memory_space<semaphore_mem>> -> memref<!tpu.dma_semaphore, #tpu.memory_space<semaphore_mem>>
          %dma_wait3A_276 = arith.constant 0 : i32
          %dma_wait3A_277 = tpu.memref_slice %arg4[%mul3A_267, %dma_wait3A_276] : memref<278528x128xf32, #tpu.memory_space<hbm>> -> memref<128x128xf32, #tpu.memory_space<hbm>>
          %dma_wait3A_278 = arith.constant 0 : i32
          %dma_wait3A_279 = arith.constant 0 : i32
          %dma_wait3A_280 = tpu.memref_slice %run_scoped3A_8[%rem3A_265, %dma_wait3A_278, %dma_wait3A_279] : memref<2x128x128xf32, #tpu.memory_space<vmem>> -> memref<1x128x128xf32, #tpu.memory_space<vmem>>
          %dma_wait3A_281 = tpu.memref_squeeze %dma_wait3A_280 : memref<1x128x128xf32, #tpu.memory_space<vmem>> -> memref<128x128xf32, #tpu.memory_space<vmem>>
          tpu.wait_dma2 semaphore(%dma_wait3A_275 : memref<!tpu.dma_semaphore, #tpu.memory_space<semaphore_mem>>) src(%dma_wait3A_281 : memref<128x128xf32, #tpu.memory_space<vmem>>) dst(%dma_wait3A_277 : memref<128x128xf32, #tpu.memory_space<hbm>>)
          "tpu.trace_stop"() : () -> ()
        } else {
        }
        %and3A_244 = arith.constant true
        %and3A_245 = arith.andi %and3A_240, %and3A_244 : i1
        %add3A_246 = arith.constant 1 : i32
        %add3A_247 = arith.addi %scan3A_125, %add3A_246 : i32
        %select_n3A_248 = arith.select %and3A_245, %add3A_247, %scan3A_125 : i32
        %ne3A_249 = arith.cmpi ne, %add3A_131, %add3A_149 : i32
        %or3A_250 = arith.constant false
        %or3A_251 = arith.ori %or3A_250, %ne3A_249 : i1
        %or3A_252 = arith.ori %or3A_251, %eq3A_130 : i1
        %add3A_253 = arith.constant 1 : i32
        %add3A_254 = arith.addi %scan3A_123, %add3A_253 : i32
        %select_n3A_255 = arith.select %or3A_252, %add3A_254, %scan3A_123 : i32
        %add3A_256 = arith.constant 1 : i32
        %add3A_257 = arith.addi %scan3A_126, %add3A_256 : i32
        %select_n3A_258 = arith.constant true
        %select_n3A_259 = arith.select %select_n3A_258, %add3A_257, %scan3A_126 : i32
        %eq3A_260 = arith.constant 68 : i32
        %eq3A_261 = arith.cmpi eq, %select_n3A_259, %eq3A_260 : i32
        %select_n3A_262 = arith.constant 0 : i32
        %select_n3A_263 = arith.select %eq3A_261, %select_n3A_262, %select_n3A_259 : i32
        scf.yield %select_n3A_167, %select_n3A_255, %select_n3A_221, %select_n3A_248, %select_n3A_263 : i32, i32, i32, i32, i32
      }
      %scan3A_68 = arith.constant 68 : i32
      %sub3A = arith.constant 1 : i32
      %sub3A_69 = arith.subi %scan3A_67#4, %sub3A : i32
      %select_n3A_70 = arith.constant true
      %select_n3A_71 = arith.select %select_n3A_70, %sub3A_69, %scan3A_67#4 : i32
      %eq3A_72 = arith.constant -1 : i32
      %eq3A_73 = arith.cmpi eq, %select_n3A_71, %eq3A_72 : i32
      %select_n3A_74 = arith.constant 67 : i32
      %select_n3A_75 = arith.select %eq3A_73, %select_n3A_74, %select_n3A_71 : i32
      %add3A_76 = arith.addi %select_n3A_75, %mul3A_6 : i32
      %sub3A_77 = arith.constant 1 : i32
      %sub3A_78 = arith.subi %select_n3A_75, %sub3A_77 : i32
      %select_n3A_79 = arith.constant true
      %select_n3A_80 = arith.select %select_n3A_79, %sub3A_78, %select_n3A_75 : i32
      %eq3A_81 = arith.constant -1 : i32
      %eq3A_82 = arith.cmpi eq, %select_n3A_80, %eq3A_81 : i32
      %select_n3A_83 = arith.constant 67 : i32
      %select_n3A_84 = arith.select %eq3A_82, %select_n3A_83, %select_n3A_80 : i32
      %add3A_85 = arith.addi %select_n3A_84, %mul3A_6 : i32
      %add3A_86 = arith.constant 1 : i32
      %add3A_87 = arith.addi %select_n3A_75, %add3A_86 : i32
      %select_n3A_88 = arith.constant true
      %select_n3A_89 = arith.select %select_n3A_88, %add3A_87, %select_n3A_75 : i32
      %eq3A_90 = arith.constant 68 : i32
      %eq3A_91 = arith.cmpi eq, %select_n3A_89, %eq3A_90 : i32
      %select_n3A_92 = arith.constant 0 : i32
      %select_n3A_93 = arith.select %eq3A_91, %select_n3A_92, %select_n3A_89 : i32
      %add3A_94 = arith.addi %select_n3A_93, %mul3A_6 : i32
      %add3A_95 = arith.constant 1 : i32
      %add3A_96 = arith.addi %select_n3A_93, %add3A_95 : i32
      %select_n3A_97 = arith.constant true
      %select_n3A_98 = arith.select %select_n3A_97, %add3A_96, %select_n3A_93 : i32
      %eq3A_99 = arith.constant 68 : i32
      %eq3A_100 = arith.cmpi eq, %select_n3A_98, %eq3A_99 : i32
      %select_n3A_101 = arith.constant 0 : i32
      %select_n3A_102 = arith.select %eq3A_100, %select_n3A_101, %select_n3A_98 : i32
      %add3A_103 = arith.addi %select_n3A_102, %mul3A_6 : i32
      "tpu.trace_start"() <{level = 10 : i32, message = "ep_finalize"}> : () -> ()
      %rem3A_104 = arith.constant 2 : i32
      %rem3A_105 = arith.remui %scan3A_67#3, %rem3A_104 : i32
      %mul3A_106 = arith.constant 128 : i32
      %mul3A_107 = arith.muli %mul3A_106, %add3A_76 : i32
      %dma_wait3A = arith.constant 0 : i32
      %dma_wait3A_108 = arith.constant 0 : i32
      %dma_wait3A_109 = tpu.memref_slice %run_scoped3A_8[%rem3A_105, %dma_wait3A, %dma_wait3A_108] : memref<2x128x128xf32, #tpu.memory_space<vmem>> -> memref<1x128x128xf32, #tpu.memory_space<vmem>>
      %dma_wait3A_110 = tpu.memref_squeeze %dma_wait3A_109 : memref<1x128x128xf32, #tpu.memory_space<vmem>> -> memref<128x128xf32, #tpu.memory_space<vmem>>
      %dma_wait3A_111 = arith.constant 0 : i32
      %dma_wait3A_112 = tpu.memref_slice %arg4[%mul3A_107, %dma_wait3A_111] : memref<278528x128xf32, #tpu.memory_space<hbm>> -> memref<128x128xf32, #tpu.memory_space<hbm>>
      %dma_wait3A_113 = tpu.memref_slice %run_scoped3A_9[%rem3A_105] : memref<2x!tpu.dma_semaphore, #tpu.memory_space<semaphore_mem>> -> memref<1x!tpu.dma_semaphore, #tpu.memory_space<semaphore_mem>>
      %dma_wait3A_114 = tpu.memref_squeeze %dma_wait3A_113 : memref<1x!tpu.dma_semaphore, #tpu.memory_space<semaphore_mem>> -> memref<!tpu.dma_semaphore, #tpu.memory_space<semaphore_mem>>
      %dma_wait3A_115 = arith.constant 0 : i32
      %dma_wait3A_116 = tpu.memref_slice %arg4[%mul3A_107, %dma_wait3A_115] : memref<278528x128xf32, #tpu.memory_space<hbm>> -> memref<128x128xf32, #tpu.memory_space<hbm>>
      %dma_wait3A_117 = arith.constant 0 : i32
      %dma_wait3A_118 = arith.constant 0 : i32
      %dma_wait3A_119 = tpu.memref_slice %run_scoped3A_8[%rem3A_105, %dma_wait3A_117, %dma_wait3A_118] : memref<2x128x128xf32, #tpu.memory_space<vmem>> -> memref<1x128x128xf32, #tpu.memory_space<vmem>>
      %dma_wait3A_120 = tpu.memref_squeeze %dma_wait3A_119 : memref<1x128x128xf32, #tpu.memory_space<vmem>> -> memref<128x128xf32, #tpu.memory_space<vmem>>
      tpu.wait_dma2 semaphore(%dma_wait3A_114 : memref<!tpu.dma_semaphore, #tpu.memory_space<semaphore_mem>>) src(%dma_wait3A_120 : memref<128x128xf32, #tpu.memory_space<vmem>>) dst(%dma_wait3A_116 : memref<128x128xf32, #tpu.memory_space<hbm>>)
      "tpu.trace_stop"() : () -> ()
      tpu.yield
    }) : () -> ()
    return
  }
}

#map = affine_map<(d0, d1) -> (0, 0)>
module attributes {stable_mosaic.version = 14 : i64} {
  func.func @k(%arg0: i32, %arg1: i32, %arg2: memref<100000x128xf32, #tpu.memory_space<hbm>>, %arg3: memref<1x278528xi32, #tpu.memory_space<hbm>>, %arg4: memref<278528x128xf32, #tpu.memory_space<hbm>>) attributes {dimension_semantics = [#tpu.dimension_semantics<core_parallel>, #tpu.dimension_semantics<subcore_parallel>], iteration_bounds = array<i64: 2, 16>, scalar_prefetch = 0 : i64, scratch_operands = 0 : i64, tpu.core_type = #tpu.core_type<sc_vector_subcore>, window_params = [{transform_indices = #map}, {transform_indices = #map}, {transform_indices = #map}]} {
    %mul3A = arith.constant 1 : i32
    %mul3A_0 = arith.muli %arg1, %mul3A : i32
    %add3A = arith.constant 0 : i32
    %add3A_1 = arith.addi %add3A, %mul3A_0 : i32
    %mul3A_2 = arith.constant 16 : i32
    %mul3A_3 = arith.muli %arg0, %mul3A_2 : i32
    %add3A_4 = arith.addi %add3A_1, %mul3A_3 : i32
    %mul3A_5 = arith.constant 68 : i32
    %mul3A_6 = arith.muli %add3A_4, %mul3A_5 : i32
    "tpu.region"() ({
      %run_scoped3A = memref.alloca() : memref<2x1x128xi32, #tpu.memory_space<vmem>>
      %run_scoped3A_7 = tpu.sem_alloc : memref<2x!tpu.dma_semaphore, #tpu.memory_space<semaphore_mem>>
      %run_scoped3A_8 = memref.alloca() : memref<2x128x128xf32, #tpu.memory_space<vmem>>
      %run_scoped3A_9 = tpu.sem_alloc : memref<2x!tpu.dma_semaphore, #tpu.memory_space<semaphore_mem>>
      %add3A_10 = arith.constant 0 : i32
      %add3A_11 = arith.addi %add3A_10, %mul3A_6 : i32
      %select_n3A = arith.constant true
      %select_n3A_12 = arith.constant 0 : i32
      %select_n3A_13 = arith.constant -1 : i32
      %select_n3A_14 = arith.select %select_n3A, %select_n3A_13, %select_n3A_12 : i32
      %eq3A = arith.constant -1 : i32
      %eq3A_15 = arith.cmpi eq, %select_n3A_14, %eq3A : i32
      %select_n3A_16 = arith.constant 67 : i32
      %select_n3A_17 = arith.select %eq3A_15, %select_n3A_16, %select_n3A_14 : i32
      %add3A_18 = arith.addi %select_n3A_17, %mul3A_6 : i32
      %select_n3A_19 = arith.constant true
      %select_n3A_20 = arith.constant 0 : i32
      %select_n3A_21 = arith.constant 1 : i32
      %select_n3A_22 = arith.select %select_n3A_19, %select_n3A_21, %select_n3A_20 : i32
      %eq3A_23 = arith.constant 68 : i32
      %eq3A_24 = arith.cmpi eq, %select_n3A_22, %eq3A_23 : i32
      %select_n3A_25 = arith.constant 0 : i32
      %select_n3A_26 = arith.select %eq3A_24, %select_n3A_25, %select_n3A_22 : i32
      %add3A_27 = arith.addi %select_n3A_26, %mul3A_6 : i32
      %add3A_28 = arith.constant 1 : i32
      %add3A_29 = arith.addi %select_n3A_26, %add3A_28 : i32
      %select_n3A_30 = arith.constant true
      %select_n3A_31 = arith.select %select_n3A_30, %add3A_29, %select_n3A_26 : i32
      %eq3A_32 = arith.constant 68 : i32
      %eq3A_33 = arith.cmpi eq, %select_n3A_31, %eq3A_32 : i32
      %select_n3A_34 = arith.constant 0 : i32
      %select_n3A_35 = arith.select %eq3A_33, %select_n3A_34, %select_n3A_31 : i32
      %add3A_36 = arith.addi %select_n3A_35, %mul3A_6 : i32
      "tpu.trace_start"() <{level = 10 : i32, message = "ep_initialize_0"}> : () -> ()
      %rem3A = arith.constant 0 : i32
      %rem3A_37 = arith.constant 2 : i32
      %rem3A_38 = arith.remui %rem3A, %rem3A_37 : i32
      %mul3A_39 = arith.constant 128 : i32
      %mul3A_40 = arith.muli %mul3A_39, %add3A_11 : i32
      %dma_start3A = arith.constant 0 : i32
      %dma_start3A_41 = arith.constant 0 : i32
      %dma_start3A_42 = tpu.memref_slice %run_scoped3A[%rem3A_38, %dma_start3A, %dma_start3A_41] : memref<2x1x128xi32, #tpu.memory_space<vmem>> -> memref<1x1x128xi32, #tpu.memory_space<vmem>>
      %dma_start3A_43 = tpu.memref_squeeze %dma_start3A_42 : memref<1x1x128xi32, #tpu.memory_space<vmem>> -> memref<1x128xi32, #tpu.memory_space<vmem>>
      %dma_start3A_44 = arith.constant 0 : i32
      %dma_start3A_45 = tpu.memref_slice %arg3[%dma_start3A_44, %mul3A_40] : memref<1x278528xi32, #tpu.memory_space<hbm>> -> memref<1x128xi32, #tpu.memory_space<hbm>>
      %dma_start3A_46 = tpu.memref_slice %run_scoped3A_7[%rem3A_38] : memref<2x!tpu.dma_semaphore, #tpu.memory_space<semaphore_mem>> -> memref<1x!tpu.dma_semaphore, #tpu.memory_space<semaphore_mem>>
      %dma_start3A_47 = tpu.memref_squeeze %dma_start3A_46 : memref<1x!tpu.dma_semaphore, #tpu.memory_space<semaphore_mem>> -> memref<!tpu.dma_semaphore, #tpu.memory_space<semaphore_mem>>
      %dma_start3A_48 = arith.constant 0 : i32
      %dma_start3A_49 = arith.constant 0 : i32
      %dma_start3A_50 = tpu.memref_slice %run_scoped3A[%rem3A_38, %dma_start3A_48, %dma_start3A_49] : memref<2x1x128xi32, #tpu.memory_space<vmem>> -> memref<1x1x128xi32, #tpu.memory_space<vmem>>
      %dma_start3A_51 = tpu.memref_squeeze %dma_start3A_50 : memref<1x1x128xi32, #tpu.memory_space<vmem>> -> memref<1x128xi32, #tpu.memory_space<vmem>>
      %dma_start3A_52 = arith.constant 0 : i32
      %dma_start3A_53 = tpu.memref_slice %arg3[%dma_start3A_52, %mul3A_40] : memref<1x278528xi32, #tpu.memory_space<hbm>> -> memref<1x128xi32, #tpu.memory_space<hbm>>
      tpu.enqueue_dma source(%dma_start3A_53 : memref<1x128xi32, #tpu.memory_space<hbm>>) target(%dma_start3A_51 : memref<1x128xi32, #tpu.memory_space<vmem>>) target_semaphore(%dma_start3A_47 : memref<!tpu.dma_semaphore, #tpu.memory_space<semaphore_mem>>)
      %add3A_54 = arith.constant 0 : i32
      %add3A_55 = arith.constant 1 : i32
      %add3A_56 = arith.addi %add3A_54, %add3A_55 : i32
      %select_n3A_57 = arith.constant true
      %select_n3A_58 = arith.constant 0 : i32
      %select_n3A_59 = arith.select %select_n3A_57, %add3A_56, %select_n3A_58 : i32
      "tpu.trace_stop"() : () -> ()
      %scan3A = arith.constant 0 : i32
      %scan3A_60 = arith.constant 0 : i32
      %scan3A_61 = arith.constant 0 : i32
      %scan3A_62 = arith.constant 0 : i32
      %scan3A_63 = arith.constant 0 : i32
      %scan3A_64 = arith.constant 68 : i32
      %scan3A_65 = arith.addi %scan3A_63, %scan3A_64 : i32
      %scan3A_66 = arith.constant 1 : i32
      %scan3A_67:5 = scf.for %scan3A_121 = %scan3A_63 to %scan3A_65 step %scan3A_66 iter_args(%scan3A_122 = %select_n3A_59, %scan3A_123 = %scan3A, %scan3A_124 = %scan3A_60, %scan3A_125 = %scan3A_61, %scan3A_126 = %scan3A_62) -> (i32, i32, i32, i32, i32)  : i32 {
        %eq3A_127 = arith.constant 0 : i32
        %eq3A_128 = arith.cmpi eq, %scan3A_121, %eq3A_127 : i32
        %eq3A_129 = arith.constant 67 : i32
        %eq3A_130 = arith.cmpi eq, %scan3A_121, %eq3A_129 : i32
        %add3A_131 = arith.addi %scan3A_126, %mul3A_6 : i32
        %sub3A_132 = arith.constant 1 : i32
        %sub3A_133 = arith.subi %scan3A_126, %sub3A_132 : i32
        %select_n3A_134 = arith.constant true
        %select_n3A_135 = arith.select %select_n3A_134, %sub3A_133, %scan3A_126 : i32
        %eq3A_136 = arith.constant -1 : i32
        %eq3A_137 = arith.cmpi eq, %select_n3A_135, %eq3A_136 : i32
        %select_n3A_138 = arith.constant 67 : i32
        %select_n3A_139 = arith.select %eq3A_137, %select_n3A_138, %select_n3A_135 : i32
        %add3A_140 = arith.addi %select_n3A_139, %mul3A_6 : i32
        %add3A_141 = arith.constant 1 : i32
        %add3A_142 = arith.addi %scan3A_126, %add3A_141 : i32
        %select_n3A_143 = arith.constant true
        %select_n3A_144 = arith.select %select_n3A_143, %add3A_142, %scan3A_126 : i32
        %eq3A_145 = arith.constant 68 : i32
        %eq3A_146 = arith.cmpi eq, %select_n3A_144, %eq3A_145 : i32
        %select_n3A_147 = arith.constant 0 : i32
        %select_n3A_148 = arith.select %eq3A_146, %select_n3A_147, %select_n3A_144 : i32
        %add3A_149 = arith.addi %select_n3A_148, %mul3A_6 : i32
        %add3A_150 = arith.constant 1 : i32
        %add3A_151 = arith.addi %select_n3A_148, %add3A_150 : i32
        %select_n3A_152 = arith.constant true
        %select_n3A_153 = arith.select %select_n3A_152, %add3A_151, %select_n3A_148 : i32
        %eq3A_154 = arith.constant 68 : i32
        %eq3A_155 = arith.cmpi eq, %select_n3A_153, %eq3A_154 : i32
        %select_n3A_156 = arith.constant 0 : i32
        %select_n3A_157 = arith.select %eq3A_155, %select_n3A_156, %select_n3A_153 : i32
        %add3A_158 = arith.addi %select_n3A_157, %mul3A_6 : i32
        %ne3A = arith.cmpi ne, %add3A_131, %add3A_149 : i32
        %or3A = arith.constant false
        %or3A_159 = arith.ori %or3A, %ne3A : i1
        %ge3A = arith.constant 67 : i32
        %ge3A_160 = arith.cmpi sge, %scan3A_121, %ge3A : i32
        %not3A = arith.constant true
        %not3A_161 = arith.xori %ge3A_160, %not3A : i1
        %and3A = arith.andi %or3A_159, %not3A_161 : i1
        %convert_element_type3A = arith.extui %and3A : i1 to i32
        %cond3A = arith.constant 0 : i32
        %cond3A_162 = arith.cmpi ne, %convert_element_type3A, %cond3A : i32
        scf.if %cond3A_162 {
          "tpu.trace_start"() <{level = 10 : i32, message = "ep_copy_in"}> : () -> ()
          %rem3A_264 = arith.constant 2 : i32
          %rem3A_265 = arith.remui %scan3A_122, %rem3A_264 : i32
          %mul3A_266 = arith.constant 128 : i32
          %mul3A_267 = arith.muli %mul3A_266, %add3A_149 : i32
          %dma_start3A_268 = arith.constant 0 : i32
          %dma_start3A_269 = arith.constant 0 : i32
          %dma_start3A_270 = tpu.memref_slice %run_scoped3A[%rem3A_265, %dma_start3A_268, %dma_start3A_269] : memref<2x1x128xi32, #tpu.memory_space<vmem>> -> memref<1x1x128xi32, #tpu.memory_space<vmem>>
          %dma_start3A_271 = tpu.memref_squeeze %dma_start3A_270 : memref<1x1x128xi32, #tpu.memory_space<vmem>> -> memref<1x128xi32, #tpu.memory_space<vmem>>
          %dma_start3A_272 = arith.constant 0 : i32
          %dma_start3A_273 = tpu.memref_slice %arg3[%dma_start3A_272, %mul3A_267] : memref<1x278528xi32, #tpu.memory_space<hbm>> -> memref<1x128xi32, #tpu.memory_space<hbm>>
          %dma_start3A_274 = tpu.memref_slice %run_scoped3A_7[%rem3A_265] : memref<2x!tpu.dma_semaphore, #tpu.memory_space<semaphore_mem>> -> memref<1x!tpu.dma_semaphore, #tpu.memory_space<semaphore_mem>>
          %dma_start3A_275 = tpu.memref_squeeze %dma_start3A_274 : memref<1x!tpu.dma_semaphore, #tpu.memory_space<semaphore_mem>> -> memref<!tpu.dma_semaphore, #tpu.memory_space<semaphore_mem>>
          %dma_start3A_276 = arith.constant 0 : i32
          %dma_start3A_277 = arith.constant 0 : i32
          %dma_start3A_278 = tpu.memref_slice %run_scoped3A[%rem3A_265, %dma_start3A_276, %dma_start3A_277] : memref<2x1x128xi32, #tpu.memory_space<vmem>> -> memref<1x1x128xi32, #tpu.memory_space<vmem>>
          %dma_start3A_279 = tpu.memref_squeeze %dma_start3A_278 : memref<1x1x128xi32, #tpu.memory_space<vmem>> -> memref<1x128xi32, #tpu.memory_space<vmem>>
          %dma_start3A_280 = arith.constant 0 : i32
          %dma_start3A_281 = tpu.memref_slice %arg3[%dma_start3A_280, %mul3A_267] : memref<1x278528xi32, #tpu.memory_space<hbm>> -> memref<1x128xi32, #tpu.memory_space<hbm>>
          tpu.enqueue_dma source(%dma_start3A_281 : memref<1x128xi32, #tpu.memory_space<hbm>>) target(%dma_start3A_279 : memref<1x128xi32, #tpu.memory_space<vmem>>) target_semaphore(%dma_start3A_275 : memref<!tpu.dma_semaphore, #tpu.memory_space<semaphore_mem>>)
          "tpu.trace_stop"() : () -> ()
        } else {
        }
        %and3A_163 = arith.constant true
        %and3A_164 = arith.andi %and3A, %and3A_163 : i1
        %add3A_165 = arith.constant 1 : i32
        %add3A_166 = arith.addi %scan3A_122, %add3A_165 : i32
        %select_n3A_167 = arith.select %and3A_164, %add3A_166, %scan3A_122 : i32
        %ne3A_168 = arith.cmpi ne, %add3A_131, %add3A_149 : i32
        %or3A_169 = arith.constant false
        %or3A_170 = arith.ori %or3A_169, %ne3A_168 : i1
        %or3A_171 = arith.constant false
        %or3A_172 = arith.ori %or3A_170, %or3A_171 : i1
        %ge3A_173 = arith.constant 67 : i32
        %ge3A_174 = arith.cmpi sge, %scan3A_121, %ge3A_173 : i32
        %not3A_175 = arith.constant true
        %not3A_176 = arith.xori %ge3A_174, %not3A_175 : i1
        %and3A_177 = arith.andi %or3A_172, %not3A_176 : i1
        %ne3A_178 = arith.cmpi ne, %add3A_131, %add3A_140 : i32
        %or3A_179 = arith.constant false
        %or3A_180 = arith.ori %or3A_179, %ne3A_178 : i1
        %or3A_181 = arith.ori %or3A_180, %eq3A_128 : i1
        %convert_element_type3A_182 = arith.extui %or3A_181 : i1 to i32
        %cond3A_183 = arith.constant 0 : i32
        %cond3A_184 = arith.cmpi ne, %convert_element_type3A_182, %cond3A_183 : i32
        scf.if %cond3A_184 {
          "tpu.trace_start"() <{level = 10 : i32, message = "ep_wait_in"}> : () -> ()
          %mul3A_264 = arith.constant 128 : i32
          %mul3A_265 = arith.muli %mul3A_264, %add3A_131 : i32
          %rem3A_266 = arith.constant 2 : i32
          %rem3A_267 = arith.remui %scan3A_123, %rem3A_266 : i32
          %dma_wait3A_268 = arith.constant 0 : i32
          %dma_wait3A_269 = arith.constant 0 : i32
          %dma_wait3A_270 = tpu.memref_slice %run_scoped3A[%rem3A_267, %dma_wait3A_268, %dma_wait3A_269] : memref<2x1x128xi32, #tpu.memory_space<vmem>> -> memref<1x1x128xi32, #tpu.memory_space<vmem>>
          %dma_wait3A_271 = tpu.memref_squeeze %dma_wait3A_270 : memref<1x1x128xi32, #tpu.memory_space<vmem>> -> memref<1x128xi32, #tpu.memory_space<vmem>>
          %dma_wait3A_272 = arith.constant 0 : i32
          %dma_wait3A_273 = tpu.memref_slice %arg3[%dma_wait3A_272, %mul3A_265] : memref<1x278528xi32, #tpu.memory_space<hbm>> -> memref<1x128xi32, #tpu.memory_space<hbm>>
          %dma_wait3A_274 = tpu.memref_slice %run_scoped3A_7[%rem3A_267] : memref<2x!tpu.dma_semaphore, #tpu.memory_space<semaphore_mem>> -> memref<1x!tpu.dma_semaphore, #tpu.memory_space<semaphore_mem>>
          %dma_wait3A_275 = tpu.memref_squeeze %dma_wait3A_274 : memref<1x!tpu.dma_semaphore, #tpu.memory_space<semaphore_mem>> -> memref<!tpu.dma_semaphore, #tpu.memory_space<semaphore_mem>>
          %dma_wait3A_276 = arith.constant 0 : i32
          %dma_wait3A_277 = arith.constant 0 : i32
          %dma_wait3A_278 = tpu.memref_slice %run_scoped3A[%rem3A_267, %dma_wait3A_276, %dma_wait3A_277] : memref<2x1x128xi32, #tpu.memory_space<vmem>> -> memref<1x1x128xi32, #tpu.memory_space<vmem>>
          %dma_wait3A_279 = tpu.memref_squeeze %dma_wait3A_278 : memref<1x1x128xi32, #tpu.memory_space<vmem>> -> memref<1x128xi32, #tpu.memory_space<vmem>>
          %dma_wait3A_280 = arith.constant 0 : i32
          %dma_wait3A_281 = tpu.memref_slice %arg3[%dma_wait3A_280, %mul3A_265] : memref<1x278528xi32, #tpu.memory_space<hbm>> -> memref<1x128xi32, #tpu.memory_space<hbm>>
          tpu.wait_dma2 semaphore(%dma_wait3A_275 : memref<!tpu.dma_semaphore, #tpu.memory_space<semaphore_mem>>) src(%dma_wait3A_281 : memref<1x128xi32, #tpu.memory_space<hbm>>) dst(%dma_wait3A_279 : memref<1x128xi32, #tpu.memory_space<vmem>>)
          "tpu.trace_stop"() : () -> ()
        } else {
        }
        %ne3A_185 = arith.cmpi ne, %add3A_131, %add3A_140 : i32
        %or3A_186 = arith.constant false
        %or3A_187 = arith.ori %or3A_186, %ne3A_185 : i1
        %or3A_188 = arith.constant false
        %or3A_189 = arith.ori %or3A_187, %or3A_188 : i1
        %or3A_190 = arith.ori %or3A_189, %eq3A_128 : i1
        %convert_element_type3A_191 = arith.extui %or3A_190 : i1 to i32
        %cond3A_192 = arith.constant 0 : i32
        %cond3A_193 = arith.cmpi ne, %convert_element_type3A_191, %cond3A_192 : i32
        scf.if %cond3A_193 {
        } else {
        }
        %rem3A_194 = arith.constant 2 : i32
        %rem3A_195 = arith.remui %scan3A_123, %rem3A_194 : i32
        %rem3A_196 = arith.constant 2 : i32
        %rem3A_197 = arith.remui %scan3A_124, %rem3A_196 : i32
        %run_scoped3A_198 = arith.constant 0 : i32
        "tpu.trace_start"() <{level = 10 : i32, message = "ep_run_kernel"}> : () -> ()
        "tpu.region"() ({
          %run_scoped3A_264 = tpu.sem_alloc : memref<!tpu.dma_semaphore, #tpu.memory_space<semaphore_mem>>
          %dma_start3A_265 = arith.constant 0 : i32
          %dma_start3A_266 = arith.constant 0 : i32
          %dma_start3A_267 = tpu.memref_slice %run_scoped3A_8[%rem3A_197, %dma_start3A_265, %dma_start3A_266] : memref<2x128x128xf32, #tpu.memory_space<vmem>> -> memref<1x128x128xf32, #tpu.memory_space<vmem>>
          %dma_start3A_268 = tpu.memref_squeeze %dma_start3A_267 : memref<1x128x128xf32, #tpu.memory_space<vmem>> -> memref<128x128xf32, #tpu.memory_space<vmem>>
          %dma_start3A_269 = arith.constant 0 : i32
          %dma_start3A_270 = arith.constant 0 : i32
          %dma_start3A_271 = tpu.memref_slice %run_scoped3A[%rem3A_195, %dma_start3A_269, %dma_start3A_270] : memref<2x1x128xi32, #tpu.memory_space<vmem>> -> memref<1x1x128xi32, #tpu.memory_space<vmem>>
          %dma_start3A_272 = tpu.memref_squeeze %dma_start3A_271 : memref<1x1x128xi32, #tpu.memory_space<vmem>> -> memref<1x128xi32, #tpu.memory_space<vmem>>
          %dma_start3A_273 = arith.constant 0 : i32
          %dma_start3A_274 = tpu.memref_slice %dma_start3A_272[%run_scoped3A_198, %dma_start3A_273] : memref<1x128xi32, #tpu.memory_space<vmem>> -> memref<1x128xi32, #tpu.memory_space<vmem>>
          %dma_start3A_275 = tpu.memref_squeeze %dma_start3A_274 : memref<1x128xi32, #tpu.memory_space<vmem>> -> memref<128xi32, #tpu.memory_space<vmem>>
          %dma_start3A_276 = arith.constant 0 : i32
          %dma_start3A_277 = arith.constant 0 : i32
          %dma_start3A_278 = tpu.memref_slice %arg2[%dma_start3A_276, %dma_start3A_277] : memref<100000x128xf32, #tpu.memory_space<hbm>> -> memref<100000x128xf32, #tpu.memory_space<hbm>>
          tpu.enqueue_indirect_dma source(%dma_start3A_278 : memref<100000x128xf32, #tpu.memory_space<hbm>>) target(%dma_start3A_268 : memref<128x128xf32, #tpu.memory_space<vmem>>) offsets(%dma_start3A_275 : memref<128xi32, #tpu.memory_space<vmem>>) semaphore(%run_scoped3A_264 : memref<!tpu.dma_semaphore, #tpu.memory_space<semaphore_mem>>)
          %dma_wait3A_279 = arith.constant 0 : i32
          %dma_wait3A_280 = arith.constant 0 : i32
          %dma_wait3A_281 = tpu.memref_slice %run_scoped3A_8[%rem3A_197, %dma_wait3A_279, %dma_wait3A_280] : memref<2x128x128xf32, #tpu.memory_space<vmem>> -> memref<1x128x128xf32, #tpu.memory_space<vmem>>
          %dma_wait3A_282 = tpu.memref_squeeze %dma_wait3A_281 : memref<1x128x128xf32, #tpu.memory_space<vmem>> -> memref<128x128xf32, #tpu.memory_space<vmem>>
          %dma_wait3A_283 = arith.constant 0 : i32
          %dma_wait3A_284 = arith.constant 0 : i32
          %dma_wait3A_285 = tpu.memref_slice %run_scoped3A[%rem3A_195, %dma_wait3A_283, %dma_wait3A_284] : memref<2x1x128xi32, #tpu.memory_space<vmem>> -> memref<1x1x128xi32, #tpu.memory_space<vmem>>
          %dma_wait3A_286 = tpu.memref_squeeze %dma_wait3A_285 : memref<1x1x128xi32, #tpu.memory_space<vmem>> -> memref<1x128xi32, #tpu.memory_space<vmem>>
          %dma_wait3A_287 = arith.constant 0 : i32
          %dma_wait3A_288 = tpu.memref_slice %dma_wait3A_286[%run_scoped3A_198, %dma_wait3A_287] : memref<1x128xi32, #tpu.memory_space<vmem>> -> memref<1x128xi32, #tpu.memory_space<vmem>>
          %dma_wait3A_289 = tpu.memref_squeeze %dma_wait3A_288 : memref<1x128xi32, #tpu.memory_space<vmem>> -> memref<128xi32, #tpu.memory_space<vmem>>
          %dma_wait3A_290 = arith.constant 0 : i32
          %dma_wait3A_291 = arith.constant 0 : i32
          %dma_wait3A_292 = tpu.memref_slice %arg2[%dma_wait3A_290, %dma_wait3A_291] : memref<100000x128xf32, #tpu.memory_space<hbm>> -> memref<100000x128xf32, #tpu.memory_space<hbm>>
          tpu.wait_indirect_dma semaphore(%run_scoped3A_264 : memref<!tpu.dma_semaphore, #tpu.memory_space<semaphore_mem>>) src(%dma_wait3A_292 : memref<100000x128xf32, #tpu.memory_space<hbm>>) dst(%dma_wait3A_282 : memref<128x128xf32, #tpu.memory_space<vmem>>)
          tpu.yield
        }) : () -> ()
        "tpu.trace_stop"() : () -> ()
        %ne3A_199 = arith.cmpi ne, %add3A_131, %add3A_149 : i32
        %or3A_200 = arith.constant false
        %or3A_201 = arith.ori %or3A_200, %ne3A_199 : i1
        %or3A_202 = arith.ori %or3A_201, %eq3A_130 : i1
        %convert_element_type3A_203 = arith.extui %or3A_202 : i1 to i32
        %cond3A_204 = arith.constant 0 : i32
        %cond3A_205 = arith.cmpi ne, %convert_element_type3A_203, %cond3A_204 : i32
        scf.if %cond3A_205 {
        } else {
        }
        %and3A_206 = arith.constant false
        %and3A_207 = arith.andi %or3A_202, %and3A_206 : i1
        %ne3A_208 = arith.cmpi ne, %add3A_131, %add3A_149 : i32
        %or3A_209 = arith.constant false
        %or3A_210 = arith.ori %or3A_209, %ne3A_208 : i1
        %or3A_211 = arith.constant false
        %or3A_212 = arith.ori %or3A_210, %or3A_211 : i1
        %or3A_213 = arith.ori %or3A_212, %eq3A_130 : i1
        %convert_element_type3A_214 = arith.extui %or3A_213 : i1 to i32
        %cond3A_215 = arith.constant 0 : i32
        %cond3A_216 = arith.cmpi ne, %convert_element_type3A_214, %cond3A_215 : i32
        scf.if %cond3A_216 {
          "tpu.trace_start"() <{level = 10 : i32, message = "ep_copy_out"}> : () -> ()
          %rem3A_264 = arith.constant 2 : i32
          %rem3A_265 = arith.remui %scan3A_124, %rem3A_264 : i32
          %mul3A_266 = arith.constant 128 : i32
          %mul3A_267 = arith.muli %mul3A_266, %add3A_131 : i32
          %dma_start3A_268 = arith.constant 0 : i32
          %dma_start3A_269 = arith.constant 0 : i32
          %dma_start3A_270 = tpu.memref_slice %run_scoped3A_8[%rem3A_265, %dma_start3A_268, %dma_start3A_269] : memref<2x128x128xf32, #tpu.memory_space<vmem>> -> memref<1x128x128xf32, #tpu.memory_space<vmem>>
          %dma_start3A_271 = tpu.memref_squeeze %dma_start3A_270 : memref<1x128x128xf32, #tpu.memory_space<vmem>> -> memref<128x128xf32, #tpu.memory_space<vmem>>
          %dma_start3A_272 = arith.constant 0 : i32
          %dma_start3A_273 = tpu.memref_slice %arg4[%mul3A_267, %dma_start3A_272] : memref<278528x128xf32, #tpu.memory_space<hbm>> -> memref<128x128xf32, #tpu.memory_space<hbm>>
          %dma_start3A_274 = tpu.memref_slice %run_scoped3A_9[%rem3A_265] : memref<2x!tpu.dma_semaphore, #tpu.memory_space<semaphore_mem>> -> memref<1x!tpu.dma_semaphore, #tpu.memory_space<semaphore_mem>>
          %dma_start3A_275 = tpu.memref_squeeze %dma_start3A_274 : memref<1x!tpu.dma_semaphore, #tpu.memory_space<semaphore_mem>> -> memref<!tpu.dma_semaphore, #tpu.memory_space<semaphore_mem>>
          %dma_start3A_276 = arith.constant 0 : i32
          %dma_start3A_277 = tpu.memref_slice %arg4[%mul3A_267, %dma_start3A_276] : memref<278528x128xf32, #tpu.memory_space<hbm>> -> memref<128x128xf32, #tpu.memory_space<hbm>>
          %dma_start3A_278 = arith.constant 0 : i32
          %dma_start3A_279 = arith.constant 0 : i32
          %dma_start3A_280 = tpu.memref_slice %run_scoped3A_8[%rem3A_265, %dma_start3A_278, %dma_start3A_279] : memref<2x128x128xf32, #tpu.memory_space<vmem>> -> memref<1x128x128xf32, #tpu.memory_space<vmem>>
          %dma_start3A_281 = tpu.memref_squeeze %dma_start3A_280 : memref<1x128x128xf32, #tpu.memory_space<vmem>> -> memref<128x128xf32, #tpu.memory_space<vmem>>
          tpu.enqueue_dma source(%dma_start3A_281 : memref<128x128xf32, #tpu.memory_space<vmem>>) target(%dma_start3A_277 : memref<128x128xf32, #tpu.memory_space<hbm>>) target_semaphore(%dma_start3A_275 : memref<!tpu.dma_semaphore, #tpu.memory_space<semaphore_mem>>)
          "tpu.trace_stop"() : () -> ()
        } else {
        }
        %and3A_217 = arith.constant true
        %and3A_218 = arith.andi %or3A_213, %and3A_217 : i1
        %add3A_219 = arith.constant 1 : i32
        %add3A_220 = arith.addi %scan3A_124, %add3A_219 : i32
        %select_n3A_221 = arith.select %and3A_218, %add3A_220, %scan3A_124 : i32
        %ne3A_222 = arith.cmpi ne, %add3A_131, %add3A_140 : i32
        %or3A_223 = arith.constant false
        %or3A_224 = arith.ori %or3A_223, %ne3A_222 : i1
        %not3A_225 = arith.constant true
        %not3A_226 = arith.xori %eq3A_128, %not3A_225 : i1
        %and3A_227 = arith.andi %or3A_224, %not3A_226 : i1
        %convert_element_type3A_228 = arith.extui %and3A_227 : i1 to i32
        %cond3A_229 = arith.constant 0 : i32
        %cond3A_230 = arith.cmpi ne, %convert_element_type3A_228, %cond3A_229 : i32
        scf.if %cond3A_230 {
        } else {
        }
        %and3A_231 = arith.constant false
        %and3A_232 = arith.andi %and3A_227, %and3A_231 : i1
        %ne3A_233 = arith.cmpi ne, %add3A_131, %add3A_140 : i32
        %or3A_234 = arith.constant false
        %or3A_235 = arith.ori %or3A_234, %ne3A_233 : i1
        %or3A_236 = arith.constant false
        %or3A_237 = arith.ori %or3A_235, %or3A_236 : i1
        %not3A_238 = arith.constant true
        %not3A_239 = arith.xori %eq3A_128, %not3A_238 : i1
        %and3A_240 = arith.andi %or3A_237, %not3A_239 : i1
        %convert_element_type3A_241 = arith.extui %and3A_240 : i1 to i32
        %cond3A_242 = arith.constant 0 : i32
        %cond3A_243 = arith.cmpi ne, %convert_element_type3A_241, %cond3A_242 : i32
        scf.if %cond3A_243 {
          "tpu.trace_start"() <{level = 10 : i32, message = "ep_wait_out"}> : () -> ()
          %rem3A_264 = arith.constant 2 : i32
          %rem3A_265 = arith.remui %scan3A_125, %rem3A_264 : i32
          %mul3A_266 = arith.constant 128 : i32
          %mul3A_267 = arith.muli %mul3A_266, %add3A_140 : i32
          %dma_wait3A_268 = arith.constant 0 : i32
          %dma_wait3A_269 = arith.constant 0 : i32
          %dma_wait3A_270 = tpu.memref_slice %run_scoped3A_8[%rem3A_265, %dma_wait3A_268, %dma_wait3A_269] : memref<2x128x128xf32, #tpu.memory_space<vmem>> -> memref<1x128x128xf32, #tpu.memory_space<vmem>>
          %dma_wait3A_271 = tpu.memref_squeeze %dma_wait3A_270 : memref<1x128x128xf32, #tpu.memory_space<vmem>> -> memref<128x128xf32, #tpu.memory_space<vmem>>
          %dma_wait3A_272 = arith.constant 0 : i32
          %dma_wait3A_273 = tpu.memref_slice %arg4[%mul3A_267, %dma_wait3A_272] : memref<278528x128xf32, #tpu.memory_space<hbm>> -> memref<128x128xf32, #tpu.memory_space<hbm>>
          %dma_wait3A_274 = tpu.memref_slice %run_scoped3A_9[%rem3A_265] : memref<2x!tpu.dma_semaphore, #tpu.memory_space<semaphore_mem>> -> memref<1x!tpu.dma_semaphore, #tpu.memory_space<semaphore_mem>>
          %dma_wait3A_275 = tpu.memref_squeeze %dma_wait3A_274 : memref<1x!tpu.dma_semaphore, #tpu.memory_space<semaphore_mem>> -> memref<!tpu.dma_semaphore, #tpu.memory_space<semaphore_mem>>
          %dma_wait3A_276 = arith.constant 0 : i32
          %dma_wait3A_277 = tpu.memref_slice %arg4[%mul3A_267, %dma_wait3A_276] : memref<278528x128xf32, #tpu.memory_space<hbm>> -> memref<128x128xf32, #tpu.memory_space<hbm>>
          %dma_wait3A_278 = arith.constant 0 : i32
          %dma_wait3A_279 = arith.constant 0 : i32
          %dma_wait3A_280 = tpu.memref_slice %run_scoped3A_8[%rem3A_265, %dma_wait3A_278, %dma_wait3A_279] : memref<2x128x128xf32, #tpu.memory_space<vmem>> -> memref<1x128x128xf32, #tpu.memory_space<vmem>>
          %dma_wait3A_281 = tpu.memref_squeeze %dma_wait3A_280 : memref<1x128x128xf32, #tpu.memory_space<vmem>> -> memref<128x128xf32, #tpu.memory_space<vmem>>
          tpu.wait_dma2 semaphore(%dma_wait3A_275 : memref<!tpu.dma_semaphore, #tpu.memory_space<semaphore_mem>>) src(%dma_wait3A_281 : memref<128x128xf32, #tpu.memory_space<vmem>>) dst(%dma_wait3A_277 : memref<128x128xf32, #tpu.memory_space<hbm>>)
          "tpu.trace_stop"() : () -> ()
        } else {
        }
        %and3A_244 = arith.constant true
        %and3A_245 = arith.andi %and3A_240, %and3A_244 : i1
        %add3A_246 = arith.constant 1 : i32
        %add3A_247 = arith.addi %scan3A_125, %add3A_246 : i32
        %select_n3A_248 = arith.select %and3A_245, %add3A_247, %scan3A_125 : i32
        %ne3A_249 = arith.cmpi ne, %add3A_131, %add3A_149 : i32
        %or3A_250 = arith.constant false
        %or3A_251 = arith.ori %or3A_250, %ne3A_249 : i1
        %or3A_252 = arith.ori %or3A_251, %eq3A_130 : i1
        %add3A_253 = arith.constant 1 : i32
        %add3A_254 = arith.addi %scan3A_123, %add3A_253 : i32
        %select_n3A_255 = arith.select %or3A_252, %add3A_254, %scan3A_123 : i32
        %add3A_256 = arith.constant 1 : i32
        %add3A_257 = arith.addi %scan3A_126, %add3A_256 : i32
        %select_n3A_258 = arith.constant true
        %select_n3A_259 = arith.select %select_n3A_258, %add3A_257, %scan3A_126 : i32
        %eq3A_260 = arith.constant 68 : i32
        %eq3A_261 = arith.cmpi eq, %select_n3A_259, %eq3A_260 : i32
        %select_n3A_262 = arith.constant 0 : i32
        %select_n3A_263 = arith.select %eq3A_261, %select_n3A_262, %select_n3A_259 : i32
        scf.yield %select_n3A_167, %select_n3A_255, %select_n3A_221, %select_n3A_248, %select_n3A_263 : i32, i32, i32, i32, i32
      }
      %scan3A_68 = arith.constant 68 : i32
      %sub3A = arith.constant 1 : i32
      %sub3A_69 = arith.subi %scan3A_67#4, %sub3A : i32
      %select_n3A_70 = arith.constant true
      %select_n3A_71 = arith.select %select_n3A_70, %sub3A_69, %scan3A_67#4 : i32
      %eq3A_72 = arith.constant -1 : i32
      %eq3A_73 = arith.cmpi eq, %select_n3A_71, %eq3A_72 : i32
      %select_n3A_74 = arith.constant 67 : i32
      %select_n3A_75 = arith.select %eq3A_73, %select_n3A_74, %select_n3A_71 : i32
      %add3A_76 = arith.addi %select_n3A_75, %mul3A_6 : i32
      %sub3A_77 = arith.constant 1 : i32
      %sub3A_78 = arith.subi %select_n3A_75, %sub3A_77 : i32
      %select_n3A_79 = arith.constant true
      %select_n3A_80 = arith.select %select_n3A_79, %sub3A_78, %select_n3A_75 : i32
      %eq3A_81 = arith.constant -1 : i32
      %eq3A_82 = arith.cmpi eq, %select_n3A_80, %eq3A_81 : i32
      %select_n3A_83 = arith.constant 67 : i32
      %select_n3A_84 = arith.select %eq3A_82, %select_n3A_83, %select_n3A_80 : i32
      %add3A_85 = arith.addi %select_n3A_84, %mul3A_6 : i32
      %add3A_86 = arith.constant 1 : i32
      %add3A_87 = arith.addi %select_n3A_75, %add3A_86 : i32
      %select_n3A_88 = arith.constant true
      %select_n3A_89 = arith.select %select_n3A_88, %add3A_87, %select_n3A_75 : i32
      %eq3A_90 = arith.constant 68 : i32
      %eq3A_91 = arith.cmpi eq, %select_n3A_89, %eq3A_90 : i32
      %select_n3A_92 = arith.constant 0 : i32
      %select_n3A_93 = arith.select %eq3A_91, %select_n3A_92, %select_n3A_89 : i32
      %add3A_94 = arith.addi %select_n3A_93, %mul3A_6 : i32
      %add3A_95 = arith.constant 1 : i32
      %add3A_96 = arith.addi %select_n3A_93, %add3A_95 : i32
      %select_n3A_97 = arith.constant true
      %select_n3A_98 = arith.select %select_n3A_97, %add3A_96, %select_n3A_93 : i32
      %eq3A_99 = arith.constant 68 : i32
      %eq3A_100 = arith.cmpi eq, %select_n3A_98, %eq3A_99 : i32
      %select_n3A_101 = arith.constant 0 : i32
      %select_n3A_102 = arith.select %eq3A_100, %select_n3A_101, %select_n3A_98 : i32
      %add3A_103 = arith.addi %select_n3A_102, %mul3A_6 : i32
      "tpu.trace_start"() <{level = 10 : i32, message = "ep_finalize"}> : () -> ()
      %rem3A_104 = arith.constant 2 : i32
      %rem3A_105 = arith.remui %scan3A_67#3, %rem3A_104 : i32
      %mul3A_106 = arith.constant 128 : i32
      %mul3A_107 = arith.muli %mul3A_106, %add3A_76 : i32
      %dma_wait3A = arith.constant 0 : i32
      %dma_wait3A_108 = arith.constant 0 : i32
      %dma_wait3A_109 = tpu.memref_slice %run_scoped3A_8[%rem3A_105, %dma_wait3A, %dma_wait3A_108] : memref<2x128x128xf32, #tpu.memory_space<vmem>> -> memref<1x128x128xf32, #tpu.memory_space<vmem>>
      %dma_wait3A_110 = tpu.memref_squeeze %dma_wait3A_109 : memref<1x128x128xf32, #tpu.memory_space<vmem>> -> memref<128x128xf32, #tpu.memory_space<vmem>>
      %dma_wait3A_111 = arith.constant 0 : i32
      %dma_wait3A_112 = tpu.memref_slice %arg4[%mul3A_107, %dma_wait3A_111] : memref<278528x128xf32, #tpu.memory_space<hbm>> -> memref<128x128xf32, #tpu.memory_space<hbm>>
      %dma_wait3A_113 = tpu.memref_slice %run_scoped3A_9[%rem3A_105] : memref<2x!tpu.dma_semaphore, #tpu.memory_space<semaphore_mem>> -> memref<1x!tpu.dma_semaphore, #tpu.memory_space<semaphore_mem>>
      %dma_wait3A_114 = tpu.memref_squeeze %dma_wait3A_113 : memref<1x!tpu.dma_semaphore, #tpu.memory_space<semaphore_mem>> -> memref<!tpu.dma_semaphore, #tpu.memory_space<semaphore_mem>>
      %dma_wait3A_115 = arith.constant 0 : i32
      %dma_wait3A_116 = tpu.memref_slice %arg4[%mul3A_107, %dma_wait3A_115] : memref<278528x128xf32, #tpu.memory_space<hbm>> -> memref<128x128xf32, #tpu.memory_space<hbm>>
      %dma_wait3A_117 = arith.constant 0 : i32
      %dma_wait3A_118 = arith.constant 0 : i32
      %dma_wait3A_119 = tpu.memref_slice %run_scoped3A_8[%rem3A_105, %dma_wait3A_117, %dma_wait3A_118] : memref<2x128x128xf32, #tpu.memory_space<vmem>> -> memref<1x128x128xf32, #tpu.memory_space<vmem>>
      %dma_wait3A_120 = tpu.memref_squeeze %dma_wait3A_119 : memref<1x128x128xf32, #tpu.memory_space<vmem>> -> memref<128x128xf32, #tpu.memory_space<vmem>>
      tpu.wait_dma2 semaphore(%dma_wait3A_114 : memref<!tpu.dma_semaphore, #tpu.memory_space<semaphore_mem>>) src(%dma_wait3A_120 : memref<128x128xf32, #tpu.memory_space<vmem>>) dst(%dma_wait3A_116 : memref<128x128xf32, #tpu.memory_space<hbm>>)
      "tpu.trace_stop"() : () -> ()
      tpu.yield
    }) : () -> ()
    return
  }
}

#map = affine_map<(d0, d1) -> (0)>
module attributes {stable_mosaic.version = 14 : i64} {
  func.func @k(%arg0: i32, %arg1: i32, %arg2: memref<1024xi32, #tpu.memory_space<hbm>>, %arg3: memref<100000xi32, #tpu.memory_space<hbm>>, %arg4: memref<1024xi32, #tpu.memory_space<vmem>>, %arg5: memref<100000xi32, #tpu.memory_space<vmem>>) attributes {dimension_semantics = [#tpu.dimension_semantics<core_parallel>, #tpu.dimension_semantics<subcore_parallel>], iteration_bounds = array<i64: 2, 16>, scalar_prefetch = 0 : i64, scratch_operands = 2 : i64, tpu.core_type = #tpu.core_type<sc_vector_subcore>, window_params = [{transform_indices = #map}, {transform_indices = #map}]} {
    %mul3A = arith.constant 2 : i32
    %mul3A_0 = arith.muli %arg1, %mul3A : i32
    %add3A = arith.addi %mul3A_0, %arg0 : i32
    %eq3A = arith.constant 0 : i32
    %eq3A_1 = arith.cmpi eq, %add3A, %eq3A : i32
    %convert_element_type3A = arith.extui %eq3A_1 : i1 to i32
    %cond3A = arith.constant 0 : i32
    %cond3A_2 = arith.cmpi ne, %convert_element_type3A, %cond3A : i32
    scf.if %cond3A_2 {
      "tpu.region"() ({
        %run_scoped3A = tpu.sem_alloc : memref<!tpu.dma_semaphore, #tpu.memory_space<semaphore_mem>>
        tpu.enqueue_dma source(%arg2 : memref<1024xi32, #tpu.memory_space<hbm>>) target(%arg4 : memref<1024xi32, #tpu.memory_space<vmem>>) target_semaphore(%run_scoped3A : memref<!tpu.dma_semaphore, #tpu.memory_space<semaphore_mem>>)
        tpu.wait_dma2 semaphore(%run_scoped3A : memref<!tpu.dma_semaphore, #tpu.memory_space<semaphore_mem>>) src(%arg2 : memref<1024xi32, #tpu.memory_space<hbm>>) dst(%arg4 : memref<1024xi32, #tpu.memory_space<vmem>>)
        tpu.yield
      }) : () -> ()
      %scan3A = arith.constant 0 : i32
      %scan3A_3 = arith.constant 64 : i32
      %scan3A_4 = arith.addi %scan3A, %scan3A_3 : i32
      %scan3A_5 = arith.constant 1 : i32
      scf.for %scan3A_7 = %scan3A to %scan3A_4 step %scan3A_5  : i32 {
        %mul3A_8 = arith.constant 1 : i32
        %mul3A_9 = arith.muli %scan3A_7, %mul3A_8 : i32
        %add3A_10 = arith.constant 0 : i32
        %add3A_11 = arith.addi %add3A_10, %mul3A_9 : i32
        %mul3A_12 = arith.constant 16 : i32
        %mul3A_13 = arith.muli %add3A_11, %mul3A_12 : i32
        %get3A = arith.index_cast %mul3A_13 : i32 to index
        %get3A_14 = tpu.vector_load %arg4[%get3A] {strides = array<i32>} : memref<1024xi32, #tpu.memory_space<vmem>>, vector<16xi32>,
        %iota3A = tpu.iota {dimensions = array<i32: 0>} : vector<16xi32>
        %mul3A_15 = arith.constant 16 : i32
        %mul3A_16 = arith.muli %add3A_11, %mul3A_15 : i32
        %add3A_17 = vector.broadcast %mul3A_16 : i32 to vector<16xi32>
        %add3A_18 = arith.addi %iota3A, %add3A_17 : vector<16xi32>
        tpu.vector_store_idx %arg5[%get3A_14], %add3A_18 : memref<100000xi32, #tpu.memory_space<vmem>>[vector<16xi32>], vector<16xi32>,
      }
      %scan3A_6 = arith.constant 64 : i32
      "tpu.region"() ({
        %run_scoped3A = tpu.sem_alloc : memref<!tpu.dma_semaphore, #tpu.memory_space<semaphore_mem>>
        tpu.enqueue_dma source(%arg5 : memref<100000xi32, #tpu.memory_space<vmem>>) target(%arg3 : memref<100000xi32, #tpu.memory_space<hbm>>) target_semaphore(%run_scoped3A : memref<!tpu.dma_semaphore, #tpu.memory_space<semaphore_mem>>)
        tpu.wait_dma2 semaphore(%run_scoped3A : memref<!tpu.dma_semaphore, #tpu.memory_space<semaphore_mem>>) src(%arg5 : memref<100000xi32, #tpu.memory_space<vmem>>) dst(%arg3 : memref<100000xi32, #tpu.memory_space<hbm>>)
        tpu.yield
      }) : () -> ()
    } else {
    }
    return
  }
}

module attributes {stable_mosaic.version = 14 : i64} {
  func.func @body(%arg0: memref<1024x512xf32, #tpu.memory_space<vmem>>, %arg1: memref<1024x512xf32, #tpu.memory_space<vmem>>, %arg2: memref<128x512xf32, #tpu.memory_space<vmem>>, %arg3: memref<1x128xf32, #tpu.memory_space<vmem>>, %arg4: memref<128x512xf32, #tpu.memory_space<vmem>>, %arg5: memref<1x128xf32, #tpu.memory_space<vmem>>, %arg6: memref<1024x128xf32, #tpu.memory_space<vmem>>, %arg7: memref<1024x128xf32, #tpu.memory_space<vmem>>) attributes {dimension_semantics = [], scalar_prefetch = 0 : i64, scratch_operands = 0 : i64, tpu.core_type = #tpu.core_type<tc>} {
    %get3A = arith.constant 0 : index
    %get3A_0 = arith.constant 0 : index
    %get3A_1 = vector.load %arg0[%get3A, %get3A_0] : memref<1024x512xf32, #tpu.memory_space<vmem>>, vector<1024x512xf32>
    %get3A_2 = arith.constant 0 : index
    %get3A_3 = arith.constant 0 : index
    %get3A_4 = vector.load %arg2[%get3A_2, %get3A_3] : memref<128x512xf32, #tpu.memory_space<vmem>>, vector<128x512xf32>
    %dot_general3A = arith.constant dense<0.000000e+00> : vector<1024x128xf32>
    %dot_general3A_5 = tpu.matmul %get3A_1, %get3A_4, %dot_general3A {dimension_numbers = #tpu.dot_dimension_numbers<[1], [1], [0], [0], [0, 0, 1, 0], [], []>, precision = #tpu.contract_precision<fp32>, transpose_lhs_hint = false} : vector<1024x512xf32>, vector<128x512xf32>, vector<1024x128xf32> -> vector<1024x128xf32>
    %get3A_6 = arith.constant 0 : index
    %get3A_7 = arith.constant 0 : index
    %get3A_8 = vector.load %arg3[%get3A_6, %get3A_7] : memref<1x128xf32, #tpu.memory_space<vmem>>, vector<1x128xf32>
    %add3A = vector.broadcast %get3A_8 : vector<1x128xf32> to vector<1024x128xf32>
    %add3A_9 = arith.addf %dot_general3A_5, %add3A : vector<1024x128xf32>
    %mul3A = arith.mulf %add3A_9, %add3A_9 : vector<1024x128xf32>
    %reduce_sum3A = arith.constant dense<0.000000e+00> : vector<1024xf32>
    %reduce_sum3A_10 = vector.multi_reduction <add>, %mul3A, %reduce_sum3A [1] : vector<1024x128xf32> to vector<1024xf32>
    %broadcast_in_dim3A = vector.shape_cast %reduce_sum3A_10 : vector<1024xf32> to vector<1024x1xf32>
    %sqrt3A = math.sqrt %broadcast_in_dim3A : vector<1024x1xf32>
    %max3A = arith.constant 9.99999996E-13 : f32
    %max3A_11 = vector.broadcast %max3A : f32 to vector<1024x1xf32>
    %max3A_12 = arith.maximumf %sqrt3A, %max3A_11 : vector<1024x1xf32>
    %div3A = vector.broadcast %max3A_12 : vector<1024x1xf32> to vector<1024x128xf32>
    %div3A_13 = arith.divf %add3A_9, %div3A : vector<1024x128xf32>
    %swap3A = arith.constant 0 : index
    %swap3A_14 = arith.constant 0 : index
    %swap3A_15 = vector.load %arg6[%swap3A, %swap3A_14] : memref<1024x128xf32, #tpu.memory_space<vmem>>, vector<1024x128xf32>
    tpu.vector_store %arg6[%swap3A, %swap3A_14], %div3A_13 {strides = array<i32>} : memref<1024x128xf32, #tpu.memory_space<vmem>>, vector<1024x128xf32>,
    %get3A_16 = arith.constant 0 : index
    %get3A_17 = arith.constant 0 : index
    %get3A_18 = vector.load %arg1[%get3A_16, %get3A_17] : memref<1024x512xf32, #tpu.memory_space<vmem>>, vector<1024x512xf32>
    %get3A_19 = arith.constant 0 : index
    %get3A_20 = arith.constant 0 : index
    %get3A_21 = vector.load %arg4[%get3A_19, %get3A_20] : memref<128x512xf32, #tpu.memory_space<vmem>>, vector<128x512xf32>
    %dot_general3A_22 = arith.constant dense<0.000000e+00> : vector<1024x128xf32>
    %dot_general3A_23 = tpu.matmul %get3A_18, %get3A_21, %dot_general3A_22 {dimension_numbers = #tpu.dot_dimension_numbers<[1], [1], [0], [0], [0, 0, 1, 0], [], []>, precision = #tpu.contract_precision<fp32>, transpose_lhs_hint = false} : vector<1024x512xf32>, vector<128x512xf32>, vector<1024x128xf32> -> vector<1024x128xf32>
    %get3A_24 = arith.constant 0 : index
    %get3A_25 = arith.constant 0 : index
    %get3A_26 = vector.load %arg5[%get3A_24, %get3A_25] : memref<1x128xf32, #tpu.memory_space<vmem>>, vector<1x128xf32>
    %add3A_27 = vector.broadcast %get3A_26 : vector<1x128xf32> to vector<1024x128xf32>
    %add3A_28 = arith.addf %dot_general3A_23, %add3A_27 : vector<1024x128xf32>
    %mul3A_29 = arith.mulf %add3A_28, %add3A_28 : vector<1024x128xf32>
    %reduce_sum3A_30 = arith.constant dense<0.000000e+00> : vector<1024xf32>
    %reduce_sum3A_31 = vector.multi_reduction <add>, %mul3A_29, %reduce_sum3A_30 [1] : vector<1024x128xf32> to vector<1024xf32>
    %broadcast_in_dim3A_32 = vector.shape_cast %reduce_sum3A_31 : vector<1024xf32> to vector<1024x1xf32>
    %sqrt3A_33 = math.sqrt %broadcast_in_dim3A_32 : vector<1024x1xf32>
    %max3A_34 = arith.constant 9.99999996E-13 : f32
    %max3A_35 = vector.broadcast %max3A_34 : f32 to vector<1024x1xf32>
    %max3A_36 = arith.maximumf %sqrt3A_33, %max3A_35 : vector<1024x1xf32>
    %div3A_37 = vector.broadcast %max3A_36 : vector<1024x1xf32> to vector<1024x128xf32>
    %div3A_38 = arith.divf %add3A_28, %div3A_37 : vector<1024x128xf32>
    %swap3A_39 = arith.constant 0 : index
    %swap3A_40 = arith.constant 0 : index
    %swap3A_41 = vector.load %arg7[%swap3A_39, %swap3A_40] : memref<1024x128xf32, #tpu.memory_space<vmem>>, vector<1024x128xf32>
    tpu.vector_store %arg7[%swap3A_39, %swap3A_40], %div3A_38 {strides = array<i32>} : memref<1024x128xf32, #tpu.memory_space<vmem>>, vector<1024x128xf32>,
    return
  }
}

module attributes {stable_mosaic.version = 14 : i64} {
  func.func @body(%arg0: i32, %arg1: memref<32x272x128xf32, #tpu.memory_space<vmem>>, %arg2: memref<32x272x128xf32, #tpu.memory_space<vmem>>, %arg3: memref<32x128xf32, #tpu.memory_space<vmem>>, %arg4: memref<32x128xf32, #tpu.memory_space<vmem>>, %arg5: memref<32x272xf32, #tpu.memory_space<vmem>>, %arg6: memref<32x272xf32, #tpu.memory_space<vmem>>, %arg7: memref<32x128xf32, #tpu.memory_space<vmem>>, %arg8: memref<32x128xf32, #tpu.memory_space<vmem>>) attributes {dimension_semantics = [#tpu.dimension_semantics<arbitrary>], iteration_bounds = array<i64: 32>, scalar_prefetch = 0 : i64, scratch_operands = 0 : i64, tpu.core_type = #tpu.core_type<tc>, window_params = [{transform_indices = @transform_0, window_bounds = array<i64: 32, 272, 128>}, {transform_indices = @transform_1, window_bounds = array<i64: 32, 272, 128>}, {transform_indices = @transform_2, window_bounds = array<i64: 32, 128>}, {transform_indices = @transform_3, window_bounds = array<i64: 32, 128>}, {transform_indices = @transform_4, window_bounds = array<i64: 32, 272>}, {transform_indices = @transform_5, window_bounds = array<i64: 32, 272>}, {transform_indices = @transform_6, window_bounds = array<i64: 32, 128>}, {transform_indices = @transform_7, window_bounds = array<i64: 32, 128>}]} {
    %get3A = arith.constant 0 : index
    %get3A_0 = arith.constant 0 : index
    %get3A_1 = arith.constant 0 : index
    %get3A_2 = vector.load %arg1[%get3A, %get3A_0, %get3A_1] : memref<32x272x128xf32, #tpu.memory_space<vmem>>, vector<32x272x128xf32>
    %get3A_3 = arith.constant 0 : index
    %get3A_4 = arith.constant 0 : index
    %get3A_5 = arith.constant 0 : index
    %get3A_6 = vector.load %arg2[%get3A_3, %get3A_4, %get3A_5] : memref<32x272x128xf32, #tpu.memory_space<vmem>>, vector<32x272x128xf32>
    %get3A_7 = arith.constant 0 : index
    %get3A_8 = arith.constant 0 : index
    %get3A_9 = vector.load %arg3[%get3A_7, %get3A_8] : memref<32x128xf32, #tpu.memory_space<vmem>>, vector<32x128xf32>
    %get3A_10 = arith.constant 0 : index
    %get3A_11 = arith.constant 0 : index
    %get3A_12 = vector.load %arg4[%get3A_10, %get3A_11] : memref<32x128xf32, #tpu.memory_space<vmem>>, vector<32x128xf32>
    %broadcast_in_dim3A = vector.shape_cast %get3A_12 : vector<32x128xf32> to vector<32x1x128xf32>
    %mul3A = vector.broadcast %broadcast_in_dim3A : vector<32x1x128xf32> to vector<32x272x128xf32>
    %mul3A_13 = arith.mulf %get3A_2, %mul3A : vector<32x272x128xf32>
    %reduce_sum3A = arith.constant dense<0.000000e+00> : vector<32x272xf32>
    %reduce_sum3A_14 = vector.multi_reduction <add>, %mul3A_13, %reduce_sum3A [2] : vector<32x272x128xf32> to vector<32x272xf32>
    %swap3A = arith.constant 0 : index
    %swap3A_15 = arith.constant 0 : index
    %swap3A_16 = vector.load %arg5[%swap3A, %swap3A_15] : memref<32x272xf32, #tpu.memory_space<vmem>>, vector<32x272xf32>
    tpu.vector_store %arg5[%swap3A, %swap3A_15], %reduce_sum3A_14 {strides = array<i32>} : memref<32x272xf32, #tpu.memory_space<vmem>>, vector<32x272xf32>,
    %broadcast_in_dim3A_17 = vector.shape_cast %get3A_9 : vector<32x128xf32> to vector<32x1x128xf32>
    %mul3A_18 = vector.broadcast %broadcast_in_dim3A_17 : vector<32x1x128xf32> to vector<32x272x128xf32>
    %mul3A_19 = arith.mulf %get3A_6, %mul3A_18 : vector<32x272x128xf32>
    %reduce_sum3A_20 = arith.constant dense<0.000000e+00> : vector<32x272xf32>
    %reduce_sum3A_21 = vector.multi_reduction <add>, %mul3A_19, %reduce_sum3A_20 [2] : vector<32x272x128xf32> to vector<32x272xf32>
    %swap3A_22 = arith.constant 0 : index
    %swap3A_23 = arith.constant 0 : index
    %swap3A_24 = vector.load %arg6[%swap3A_22, %swap3A_23] : memref<32x272xf32, #tpu.memory_space<vmem>>, vector<32x272xf32>
    tpu.vector_store %arg6[%swap3A_22, %swap3A_23], %reduce_sum3A_21 {strides = array<i32>} : memref<32x272xf32, #tpu.memory_space<vmem>>, vector<32x272xf32>,
    %slice3A = vector.extract_strided_slice %get3A_2 {offsets = [0, 0, 0], sizes = [32, 1, 128], strides = [1, 1, 1]} : vector<32x272x128xf32> to vector<32x1x128xf32>
    %squeeze3A = vector.shape_cast %slice3A : vector<32x1x128xf32> to vector<32x128xf32>
    %slice3A_25 = vector.extract_strided_slice %get3A_6 {offsets = [0, 0, 0], sizes = [32, 1, 128], strides = [1, 1, 1]} : vector<32x272x128xf32> to vector<32x1x128xf32>
    %squeeze3A_26 = vector.shape_cast %slice3A_25 : vector<32x1x128xf32> to vector<32x128xf32>
    %mul3A_27 = arith.constant 5.000000e-01 : f32
    %mul3A_28 = vector.broadcast %mul3A_27 : f32 to vector<32x128xf32>
    %mul3A_29 = arith.mulf %squeeze3A, %mul3A_28 : vector<32x128xf32>
    %mul3A_30 = arith.constant 5.000000e-01 : f32
    %mul3A_31 = vector.broadcast %mul3A_30 : f32 to vector<32x128xf32>
    %mul3A_32 = arith.mulf %get3A_9, %mul3A_31 : vector<32x128xf32>
    %add3A = arith.addf %mul3A_29, %mul3A_32 : vector<32x128xf32>
    %mul3A_33 = arith.mulf %add3A, %add3A : vector<32x128xf32>
    %reduce_sum3A_34 = arith.constant dense<0.000000e+00> : vector<32xf32>
    %reduce_sum3A_35 = vector.multi_reduction <add>, %mul3A_33, %reduce_sum3A_34 [1] : vector<32x128xf32> to vector<32xf32>
    %broadcast_in_dim3A_36 = vector.shape_cast %reduce_sum3A_35 : vector<32xf32> to vector<32x1xf32>
    %sqrt3A = math.sqrt %broadcast_in_dim3A_36 : vector<32x1xf32>
    %div3A = vector.broadcast %sqrt3A : vector<32x1xf32> to vector<32x128xf32>
    %div3A_37 = arith.divf %add3A, %div3A : vector<32x128xf32>
    %swap3A_38 = arith.constant 0 : index
    %swap3A_39 = arith.constant 0 : index
    %swap3A_40 = vector.load %arg7[%swap3A_38, %swap3A_39] : memref<32x128xf32, #tpu.memory_space<vmem>>, vector<32x128xf32>
    tpu.vector_store %arg7[%swap3A_38, %swap3A_39], %div3A_37 {strides = array<i32>} : memref<32x128xf32, #tpu.memory_space<vmem>>, vector<32x128xf32>,
    %mul3A_41 = arith.constant 5.000000e-01 : f32
    %mul3A_42 = vector.broadcast %mul3A_41 : f32 to vector<32x128xf32>
    %mul3A_43 = arith.mulf %squeeze3A_26, %mul3A_42 : vector<32x128xf32>
    %mul3A_44 = arith.constant 5.000000e-01 : f32
    %mul3A_45 = vector.broadcast %mul3A_44 : f32 to vector<32x128xf32>
    %mul3A_46 = arith.mulf %get3A_12, %mul3A_45 : vector<32x128xf32>
    %add3A_47 = arith.addf %mul3A_43, %mul3A_46 : vector<32x128xf32>
    %mul3A_48 = arith.mulf %add3A_47, %add3A_47 : vector<32x128xf32>
    %reduce_sum3A_49 = arith.constant dense<0.000000e+00> : vector<32xf32>
    %reduce_sum3A_50 = vector.multi_reduction <add>, %mul3A_48, %reduce_sum3A_49 [1] : vector<32x128xf32> to vector<32xf32>
    %broadcast_in_dim3A_51 = vector.shape_cast %reduce_sum3A_50 : vector<32xf32> to vector<32x1xf32>
    %sqrt3A_52 = math.sqrt %broadcast_in_dim3A_51 : vector<32x1xf32>
    %div3A_53 = vector.broadcast %sqrt3A_52 : vector<32x1xf32> to vector<32x128xf32>
    %div3A_54 = arith.divf %add3A_47, %div3A_53 : vector<32x128xf32>
    %swap3A_55 = arith.constant 0 : index
    %swap3A_56 = arith.constant 0 : index
    %swap3A_57 = vector.load %arg8[%swap3A_55, %swap3A_56] : memref<32x128xf32, #tpu.memory_space<vmem>>, vector<32x128xf32>
    tpu.vector_store %arg8[%swap3A_55, %swap3A_56], %div3A_54 {strides = array<i32>} : memref<32x128xf32, #tpu.memory_space<vmem>>, vector<32x128xf32>,
    return
  }
  func.func @transform_0(%arg0: i32) -> (i32, i32, i32) {
    %c0_i32 = arith.constant 0 : i32
    %c0_i32_0 = arith.constant 0 : i32
    %c0_i32_1 = arith.constant 0 : i32
    return %arg0, %c0_i32, %c0_i32_0 : i32, i32, i32
  }
  func.func @transform_1(%arg0: i32) -> (i32, i32, i32) {
    %c0_i32 = arith.constant 0 : i32
    %c0_i32_0 = arith.constant 0 : i32
    %c0_i32_1 = arith.constant 0 : i32
    return %arg0, %c0_i32, %c0_i32_0 : i32, i32, i32
  }
  func.func @transform_2(%arg0: i32) -> (i32, i32) {
    %c0_i32 = arith.constant 0 : i32
    %c0_i32_0 = arith.constant 0 : i32
    return %arg0, %c0_i32 : i32, i32
  }
  func.func @transform_3(%arg0: i32) -> (i32, i32) {
    %c0_i32 = arith.constant 0 : i32
    %c0_i32_0 = arith.constant 0 : i32
    return %arg0, %c0_i32 : i32, i32
  }
  func.func @transform_4(%arg0: i32) -> (i32, i32) {
    %c0_i32 = arith.constant 0 : i32
    %c0_i32_0 = arith.constant 0 : i32
    return %arg0, %c0_i32 : i32, i32
  }
  func.func @transform_5(%arg0: i32) -> (i32, i32) {
    %c0_i32 = arith.constant 0 : i32
    %c0_i32_0 = arith.constant 0 : i32
    return %arg0, %c0_i32 : i32, i32
  }
  func.func @transform_6(%arg0: i32) -> (i32, i32) {
    %c0_i32 = arith.constant 0 : i32
    %c0_i32_0 = arith.constant 0 : i32
    return %arg0, %c0_i32 : i32, i32
  }
  func.func @transform_7(%arg0: i32) -> (i32, i32) {
    %c0_i32 = arith.constant 0 : i32
    %c0_i32_0 = arith.constant 0 : i32
    return %arg0, %c0_i32 : i32, i32
  }
}

module attributes {stable_mosaic.version = 14 : i64} {
  func.func @body(%arg0: memref<1024x128xf32, #tpu.memory_space<vmem>>, %arg1: memref<1024x128xf32, #tpu.memory_space<vmem>>, %arg2: memref<1024x128xf32, #tpu.memory_space<vmem>>, %arg3: memref<1024x128xf32, #tpu.memory_space<vmem>>, %arg4: memref<1024x1024xf32, #tpu.memory_space<vmem>>, %arg5: memref<1024x1024xf32, #tpu.memory_space<vmem>>) attributes {dimension_semantics = [], scalar_prefetch = 0 : i64, scratch_operands = 0 : i64, tpu.core_type = #tpu.core_type<tc>} {
    %get3A = arith.constant 0 : index
    %get3A_0 = arith.constant 0 : index
    %get3A_1 = vector.load %arg1[%get3A, %get3A_0] : memref<1024x128xf32, #tpu.memory_space<vmem>>, vector<1024x128xf32>
    %get3A_2 = arith.constant 0 : index
    %get3A_3 = arith.constant 0 : index
    %get3A_4 = vector.load %arg2[%get3A_2, %get3A_3] : memref<1024x128xf32, #tpu.memory_space<vmem>>, vector<1024x128xf32>
    %dot_general3A = arith.constant dense<0.000000e+00> : vector<1024x1024xf32>
    %dot_general3A_5 = tpu.matmul %get3A_1, %get3A_4, %dot_general3A {dimension_numbers = #tpu.dot_dimension_numbers<[1], [1], [0], [0], [0, 0, 1, 0], [], []>, precision = #tpu.contract_precision<fp32>, transpose_lhs_hint = false} : vector<1024x128xf32>, vector<1024x128xf32>, vector<1024x1024xf32> -> vector<1024x1024xf32>
    %swap3A = arith.constant 0 : index
    %swap3A_6 = arith.constant 0 : index
    %swap3A_7 = vector.load %arg4[%swap3A, %swap3A_6] : memref<1024x1024xf32, #tpu.memory_space<vmem>>, vector<1024x1024xf32>
    tpu.vector_store %arg4[%swap3A, %swap3A_6], %dot_general3A_5 {strides = array<i32>} : memref<1024x1024xf32, #tpu.memory_space<vmem>>, vector<1024x1024xf32>,
    %get3A_8 = arith.constant 0 : index
    %get3A_9 = arith.constant 0 : index
    %get3A_10 = vector.load %arg0[%get3A_8, %get3A_9] : memref<1024x128xf32, #tpu.memory_space<vmem>>, vector<1024x128xf32>
    %get3A_11 = arith.constant 0 : index
    %get3A_12 = arith.constant 0 : index
    %get3A_13 = vector.load %arg3[%get3A_11, %get3A_12] : memref<1024x128xf32, #tpu.memory_space<vmem>>, vector<1024x128xf32>
    %dot_general3A_14 = arith.constant dense<0.000000e+00> : vector<1024x1024xf32>
    %dot_general3A_15 = tpu.matmul %get3A_10, %get3A_13, %dot_general3A_14 {dimension_numbers = #tpu.dot_dimension_numbers<[1], [1], [0], [0], [0, 0, 1, 0], [], []>, precision = #tpu.contract_precision<fp32>, transpose_lhs_hint = false} : vector<1024x128xf32>, vector<1024x128xf32>, vector<1024x1024xf32> -> vector<1024x1024xf32>
    %swap3A_16 = arith.constant 0 : index
    %swap3A_17 = arith.constant 0 : index
    %swap3A_18 = vector.load %arg5[%swap3A_16, %swap3A_17] : memref<1024x1024xf32, #tpu.memory_space<vmem>>, vector<1024x1024xf32>
    tpu.vector_store %arg5[%swap3A_16, %swap3A_17], %dot_general3A_15 {strides = array<i32>} : memref<1024x1024xf32, #tpu.memory_space<vmem>>, vector<1024x1024xf32>,
    return
  }
}

module attributes {stable_mosaic.version = 14 : i64} {
  func.func @body(%arg0: memref<1024x272xf32, #tpu.memory_space<vmem>>, %arg1: memref<1024x272xf32, #tpu.memory_space<vmem>>, %arg2: memref<1024x272xf32, #tpu.memory_space<vmem>>, %arg3: memref<1024x272xf32, #tpu.memory_space<vmem>>, %arg4: memref<1024x272xf32, #tpu.memory_space<vmem>>, %arg5: memref<1x1xf32, #tpu.memory_space<vmem>>) attributes {dimension_semantics = [], scalar_prefetch = 0 : i64, scratch_operands = 0 : i64, tpu.core_type = #tpu.core_type<tc>} {
    %iota3A = tpu.iota {dimensions = array<i32: 1>} : vector<1024x272xi32>
    %lt3A = arith.constant 257 : i32
    %lt3A_0 = vector.broadcast %lt3A : i32 to vector<1024x272xi32>
    %lt3A_1 = arith.cmpi slt, %iota3A, %lt3A_0 : vector<1024x272xi32>
    %ge3A = arith.constant 1 : i32
    %ge3A_2 = vector.broadcast %ge3A : i32 to vector<1024x272xi32>
    %ge3A_3 = arith.cmpi sge, %iota3A, %ge3A_2 : vector<1024x272xi32>
    %and3A = arith.andi %ge3A_3, %lt3A_1 : vector<1024x272xi1>
    %get3A = arith.constant 0 : index
    %get3A_4 = arith.constant 0 : index
    %get3A_5 = vector.load %arg2[%get3A, %get3A_4] : memref<1024x272xf32, #tpu.memory_space<vmem>>, vector<1024x272xf32>
    %gt3A = arith.constant 5.000000e-01 : f32
    %gt3A_6 = vector.broadcast %gt3A : f32 to vector<1024x272xf32>
    %gt3A_7 = arith.cmpf ogt, %get3A_5, %gt3A_6 : vector<1024x272xf32>
    %get3A_8 = arith.constant 0 : index
    %get3A_9 = arith.constant 0 : index
    %get3A_10 = vector.load %arg3[%get3A_8, %get3A_9] : memref<1024x272xf32, #tpu.memory_space<vmem>>, vector<1024x272xf32>
    %get3A_11 = arith.constant 0 : index
    %get3A_12 = arith.constant 0 : index
    %get3A_13 = vector.load %arg0[%get3A_11, %get3A_12] : memref<1024x272xf32, #tpu.memory_space<vmem>>, vector<1024x272xf32>
    %select_n3A = arith.select %gt3A_7, %get3A_10, %get3A_13 : vector<1024x272xi1>, vector<1024x272xf32>
    %gt3A_14 = arith.constant 5.000000e-01 : f32
    %gt3A_15 = vector.broadcast %gt3A_14 : f32 to vector<1024x272xf32>
    %gt3A_16 = arith.cmpf ogt, %get3A_5, %gt3A_15 : vector<1024x272xf32>
    %get3A_17 = arith.constant 0 : index
    %get3A_18 = arith.constant 0 : index
    %get3A_19 = vector.load %arg4[%get3A_17, %get3A_18] : memref<1024x272xf32, #tpu.memory_space<vmem>>, vector<1024x272xf32>
    %get3A_20 = arith.constant 0 : index
    %get3A_21 = arith.constant 0 : index
    %get3A_22 = vector.load %arg1[%get3A_20, %get3A_21] : memref<1024x272xf32, #tpu.memory_space<vmem>>, vector<1024x272xf32>
    %select_n3A_23 = arith.select %gt3A_16, %get3A_19, %get3A_22 : vector<1024x272xi1>, vector<1024x272xf32>
    %mul3A = arith.constant 14.2857141 : f32
    %mul3A_24 = vector.broadcast %mul3A : f32 to vector<1024x272xf32>
    %mul3A_25 = arith.mulf %select_n3A, %mul3A_24 : vector<1024x272xf32>
    %exp3A = math.exp %mul3A_25 : vector<1024x272xf32>
    %jit3A = arith.constant 0.000000e+00 : f32
    %broadcast_in_dim3A = vector.broadcast %jit3A : f32 to vector<1024x272xf32>
    %select_n3A_26 = arith.select %lt3A_1, %exp3A, %broadcast_in_dim3A : vector<1024x272xi1>, vector<1024x272xf32>
    %mul3A_27 = arith.constant 14.2857141 : f32
    %mul3A_28 = vector.broadcast %mul3A_27 : f32 to vector<1024x272xf32>
    %mul3A_29 = arith.mulf %select_n3A_23, %mul3A_28 : vector<1024x272xf32>
    %exp3A_30 = math.exp %mul3A_29 : vector<1024x272xf32>
    %jit3A_31 = arith.constant 0.000000e+00 : f32
    %broadcast_in_dim3A_32 = vector.broadcast %jit3A_31 : f32 to vector<1024x272xf32>
    %select_n3A_33 = arith.select %lt3A_1, %exp3A_30, %broadcast_in_dim3A_32 : vector<1024x272xi1>, vector<1024x272xf32>
    %reduce_sum3A = vector.shape_cast %select_n3A_33 : vector<1024x272xf32> to vector<1x1024x272xf32>
    %reduce_sum3A_34 = arith.constant dense<0.000000e+00> : vector<1xf32>
    %reduce_sum3A_35 = vector.multi_reduction <add>, %reduce_sum3A, %reduce_sum3A_34 [1, 2] : vector<1x1024x272xf32> to vector<1xf32>
    %reduce_sum3A_36 = vector.shape_cast %reduce_sum3A_35 : vector<1xf32> to vector<1x1x1xf32>
    %reduce_sum3A_37 = vector.extract %reduce_sum3A_36[0, 0, 0] : f32 from vector<1x1x1xf32>
    %mul3A_38 = arith.constant 0.379985422 : f32
    %mul3A_39 = arith.mulf %reduce_sum3A_37, %mul3A_38 : f32
    %reduce_sum3A_40 = vector.shape_cast %select_n3A_26 : vector<1024x272xf32> to vector<1x1024x272xf32>
    %reduce_sum3A_41 = arith.constant dense<0.000000e+00> : vector<1xf32>
    %reduce_sum3A_42 = vector.multi_reduction <add>, %reduce_sum3A_40, %reduce_sum3A_41 [1, 2] : vector<1x1024x272xf32> to vector<1xf32>
    %reduce_sum3A_43 = vector.shape_cast %reduce_sum3A_42 : vector<1xf32> to vector<1x1x1xf32>
    %reduce_sum3A_44 = vector.extract %reduce_sum3A_43[0, 0, 0] : f32 from vector<1x1x1xf32>
    %mul3A_45 = arith.constant 0.379985422 : f32
    %mul3A_46 = arith.mulf %reduce_sum3A_44, %mul3A_45 : f32
    %div3A = vector.broadcast %mul3A_39 : f32 to vector<1024x272xf32>
    %div3A_47 = arith.divf %select_n3A_33, %div3A : vector<1024x272xf32>
    %div3A_48 = vector.broadcast %mul3A_46 : f32 to vector<1024x272xf32>
    %div3A_49 = arith.divf %select_n3A_26, %div3A_48 : vector<1024x272xf32>
    %slice3A = vector.extract_strided_slice %div3A_47 {offsets = [0, 0], sizes = [1024, 1], strides = [1, 1]} : vector<1024x272xf32> to vector<1024x1xf32>
    %slice3A_50 = vector.extract_strided_slice %div3A_49 {offsets = [0, 0], sizes = [1024, 1], strides = [1, 1]} : vector<1024x272xf32> to vector<1024x1xf32>
    %add3A = arith.constant 2.560000e-03 : f32
    %add3A_51 = vector.broadcast %add3A : f32 to vector<1024x1xf32>
    %add3A_52 = arith.addf %slice3A, %add3A_51 : vector<1024x1xf32>
    %add3A_53 = arith.constant 1.000000e-07 : f32
    %add3A_54 = vector.broadcast %add3A_53 : f32 to vector<1024x1xf32>
    %add3A_55 = arith.addf %add3A_52, %add3A_54 : vector<1024x1xf32>
    %div3A_56 = arith.divf %slice3A, %add3A_55 : vector<1024x1xf32>
    %log3A = math.log %div3A_56 : vector<1024x1xf32>
    %add3A_57 = arith.constant 2.560000e-03 : f32
    %add3A_58 = vector.broadcast %add3A_57 : f32 to vector<1024x1xf32>
    %add3A_59 = arith.addf %slice3A_50, %add3A_58 : vector<1024x1xf32>
    %add3A_60 = arith.constant 1.000000e-07 : f32
    %add3A_61 = vector.broadcast %add3A_60 : f32 to vector<1024x1xf32>
    %add3A_62 = arith.addf %add3A_59, %add3A_61 : vector<1024x1xf32>
    %div3A_63 = arith.divf %slice3A_50, %add3A_62 : vector<1024x1xf32>
    %log3A_64 = math.log %div3A_63 : vector<1024x1xf32>
    %add3A_65 = arith.constant 2.560000e-03 : f32
    %add3A_66 = vector.broadcast %add3A_65 : f32 to vector<1024x272xf32>
    %add3A_67 = arith.addf %div3A_47, %add3A_66 : vector<1024x272xf32>
    %add3A_68 = arith.constant 1.000000e-07 : f32
    %add3A_69 = vector.broadcast %add3A_68 : f32 to vector<1024x272xf32>
    %add3A_70 = arith.addf %add3A_67, %add3A_69 : vector<1024x272xf32>
    %div3A_71 = arith.constant 2.560000e-03 : f32
    %div3A_72 = vector.broadcast %div3A_71 : f32 to vector<1024x272xf32>
    %div3A_73 = arith.divf %div3A_72, %add3A_70 : vector<1024x272xf32>
    %log3A_74 = math.log %div3A_73 : vector<1024x272xf32>
    %add3A_75 = arith.constant 2.560000e-03 : f32
    %add3A_76 = vector.broadcast %add3A_75 : f32 to vector<1024x272xf32>
    %add3A_77 = arith.addf %div3A_49, %add3A_76 : vector<1024x272xf32>
    %add3A_78 = arith.constant 1.000000e-07 : f32
    %add3A_79 = vector.broadcast %add3A_78 : f32 to vector<1024x272xf32>
    %add3A_80 = arith.addf %add3A_77, %add3A_79 : vector<1024x272xf32>
    %div3A_81 = arith.constant 2.560000e-03 : f32
    %div3A_82 = vector.broadcast %div3A_81 : f32 to vector<1024x272xf32>
    %div3A_83 = arith.divf %div3A_82, %add3A_80 : vector<1024x272xf32>
    %log3A_84 = math.log %div3A_83 : vector<1024x272xf32>
    %jit3A_85 = arith.constant 0.000000e+00 : f32
    %broadcast_in_dim3A_86 = vector.broadcast %jit3A_85 : f32 to vector<1024x272xf32>
    %select_n3A_87 = arith.select %and3A, %log3A_74, %broadcast_in_dim3A_86 : vector<1024x272xi1>, vector<1024x272xf32>
    %reduce_sum3A_88 = arith.constant dense<0.000000e+00> : vector<1024xf32>
    %reduce_sum3A_89 = vector.multi_reduction <add>, %select_n3A_87, %reduce_sum3A_88 [1] : vector<1024x272xf32> to vector<1024xf32>
    %broadcast_in_dim3A_90 = vector.shape_cast %reduce_sum3A_89 : vector<1024xf32> to vector<1024x1xf32>
    %jit3A_91 = arith.constant 0.000000e+00 : f32
    %broadcast_in_dim3A_92 = vector.broadcast %jit3A_91 : f32 to vector<1024x272xf32>
    %select_n3A_93 = arith.select %and3A, %log3A_84, %broadcast_in_dim3A_92 : vector<1024x272xi1>, vector<1024x272xf32>
    %reduce_sum3A_94 = arith.constant dense<0.000000e+00> : vector<1024xf32>
    %reduce_sum3A_95 = vector.multi_reduction <add>, %select_n3A_93, %reduce_sum3A_94 [1] : vector<1024x272xf32> to vector<1024xf32>
    %broadcast_in_dim3A_96 = vector.shape_cast %reduce_sum3A_95 : vector<1024xf32> to vector<1024x1xf32>
    %add3A_97 = arith.addf %log3A, %broadcast_in_dim3A_90 : vector<1024x1xf32>
    %reduce_sum3A_98 = vector.shape_cast %add3A_97 : vector<1024x1xf32> to vector<1x1024x1xf32>
    %reduce_sum3A_99 = arith.constant dense<0.000000e+00> : vector<1xf32>
    %reduce_sum3A_100 = vector.multi_reduction <add>, %reduce_sum3A_98, %reduce_sum3A_99 [1, 2] : vector<1x1024x1xf32> to vector<1xf32>
    %reduce_sum3A_101 = vector.shape_cast %reduce_sum3A_100 : vector<1xf32> to vector<1x1x1xf32>
    %reduce_sum3A_102 = vector.extract %reduce_sum3A_101[0, 0, 0] : f32 from vector<1x1x1xf32>
    %neg3A = arith.constant 0.000000e+00 : f32
    %neg3A_103 = arith.subf %neg3A, %reduce_sum3A_102 : f32
    %mul3A_104 = arith.constant 9.765625E-4 : f32
    %mul3A_105 = arith.mulf %neg3A_103, %mul3A_104 : f32
    %add3A_106 = arith.addf %log3A_64, %broadcast_in_dim3A_96 : vector<1024x1xf32>
    %reduce_sum3A_107 = vector.shape_cast %add3A_106 : vector<1024x1xf32> to vector<1x1024x1xf32>
    %reduce_sum3A_108 = arith.constant dense<0.000000e+00> : vector<1xf32>
    %reduce_sum3A_109 = vector.multi_reduction <add>, %reduce_sum3A_107, %reduce_sum3A_108 [1, 2] : vector<1x1024x1xf32> to vector<1xf32>
    %reduce_sum3A_110 = vector.shape_cast %reduce_sum3A_109 : vector<1xf32> to vector<1x1x1xf32>
    %reduce_sum3A_111 = vector.extract %reduce_sum3A_110[0, 0, 0] : f32 from vector<1x1x1xf32>
    %neg3A_112 = arith.constant 0.000000e+00 : f32
    %neg3A_113 = arith.subf %neg3A_112, %reduce_sum3A_111 : f32
    %mul3A_114 = arith.constant 9.765625E-4 : f32
    %mul3A_115 = arith.mulf %neg3A_113, %mul3A_114 : f32
    %add3A_116 = arith.addf %mul3A_105, %mul3A_115 : f32
    %reshape3A = vector.broadcast %add3A_116 : f32 to vector<1x1xf32>
    %swap3A = arith.constant 0 : index
    %swap3A_117 = arith.constant 0 : index
    %swap3A_118 = vector.load %arg5[%swap3A, %swap3A_117] : memref<1x1xf32, #tpu.memory_space<vmem>>, vector<1x1xf32>
    tpu.vector_store %arg5[%swap3A, %swap3A_117], %reshape3A {strides = array<i32>} : memref<1x1xf32, #tpu.memory_space<vmem>>, vector<1x1xf32>,
    return
  }
}

</mosaic_0001>

<sc_bundles>
// kernel: kernel.10.cloned.1.call-start
scs
__scs_entry_jumppad:
0x0: {  	(pc) =	sbr.rel $0x88, $3  }
0x1: {  	(tag) =	ssettag $0x0;
	lr =	simm.s32 $0x1  }
0x2: {  	[smem:$0x3F97] =	sst lr;
	_ =	strace $0xD0000000  }
0x3: {  	_ = 	snop  }
0x4: {  	_ = 	snop  }
0x5: {  	_ = 	snop  }
0x6: {  	_ = 	snop  }
0x7: {  	_ = 	snop  }
__scs_overlays_trampoline_lowered:
0x8: {  	[smem:$0x3FA6] =	sst s0  }
0x9: {  	[smem:$0x3FA7] =	sst s1  }
0xa: {  	[smem:$0x3FA8] =	sst s2  }
0xb: {  	[smem:$0x3FA9] =	sst s3  }
0xc: {  	[smem:$0x3FAA] =	sst s4  }
0xd: {  	[smem:$0x3FAB] =	sst s5  }
0xe: {  	[smem:$0x3FAC] =	sst s6  }
0xf: {  	[smem:$0x3FAD] =	sst s7  }
0x10: {  	[smem:$0x3FAE] =	sst s8  }
0x11: {  	[smem:$0x3FAF] =	sst s9;
	s0 =	simm.s32 @!p0 $0x0  }
0x12: {  	s1 =	sld [smem:$0x3F95];
	s0 =	simm.s32 @p0 $0x1  }
0x13: {  	[smem:$0x3FB0] =	sst s0;
	s0 =	simm.s32 @!p1 $0x0  }
0x14: {  	s2 =	sld [smem:$0x3F94];
	s0 =	simm.s32 @p1 $0x1  }
0x15: {  	[smem:$0x3FB1] =	sst s0;
	s0 =	simm.s32 @!p2 $0x0  }
0x16: {  	s3 =	sld [smem:$0x3FDB];
	s0 =	simm.s32 @p2 $0x1  }
0x17: {  	s4 =	simm.s32 $0x1BF5;
	[smem:$0x3FB3] =	sst s0  }
0x18: {  	s0 =	sld [smem:$0x3F96];
	_ =	swait.ge [sflag:s4], $0x0  }
0x19: {  	s7 =	sld [smem:$0x3F97]  }
0x1a: {  	s8 =	sadd.s32 $0xFFFFE003, lr  }
0x1b: {  	s9 =	sadd.s32 $0xFFFFFEF7, lr;
	s5 =	simm.s32 $0xFFFFFFFF;
	p2 =	slt.u32 s8, $0xFFFFF086  }
0x1c: {  	p1 =	slt.u32 s9, $0xF7A;
	s5 =	simm.s32 @!p2 $0x0  }
0x1d: {  	s5 =	simm.s32 @p1 $0x1;
	p0 =	seq.s32 s7, s2  }
0x1e: {  	s7 =	smul.u32 @!p0 $0xF7A, s2;
	p2 =	seq.s32 @!p0 s5, $0x0  }
0x1f: {  	s9 =	smul.u32 $0xF7A, s1;
	s8 =	simm.s32 @!p0 $0x1BF5;
	p2 =	por !p2, p0  }
0x20: {  	[sflag:s8] =	ssyncset.s32 @!p0 $0xFFFFF086;
	s6 =	sadd.s32 @!p0 s3, s7;
	s7 =	simm.s32 @!p0 $0x108  }
0x21: {  	s3 =	sadd.s32 s3, s9;
	s6 =	sadd.s32 @!p0 $0x88, s6;
	s7 =	simm.s32 @p2 $0x1082  }
0x22: {  	[simem:s7], [sflag:s8] =	dma.local @!p0 [hbm:s6], $0xF7A  }
0x23: {  	s9 =	sor.u32 $0xD0000000, s2;
	s6 =	simm.s32 $0x108;
	_ =	swait.ge @!p0 [sflag:s8], $0x0  }
0x24: {  	s3 =	sadd.s32 $0x88, s3;
	s6 =	simm.s32 @!p1 $0x1082;
	[sflag:s4] =	ssyncset.s32 $0xFFFFF086  }
0x25: {  	[simem:s6], [sflag:s4] =	dma.local [hbm:s3], $0xF7A  }
0x26: {  	[smem:$0x3F97] =	sst s1;
	(tag) =	ssettag s2;
	_ =	strace s9  }
0x27: {  	s1 =	sld [smem:$0x3FA7]  }
0x28: {  	s2 =	sld [smem:$0x3FA8]  }
0x29: {  	s4 =	sld [smem:$0x3FAA]  }
0x2a: {  	p0 =	seq.s32 s5, $0x0;
	s5 =	sld [smem:$0x3FAB]  }
0x2b: {  	s6 =	sld [smem:$0x3FAC]  }
0x2c: {  	s7 =	sld [smem:$0x3FAD]  }
0x2d: {  	s3 =	simm.s32 $0x108;
	s8 =	sld [smem:$0x3FAE]  }
0x2e: {  	s3 =	simm.s32 @!p0 $0x1082;
	s9 =	sld [smem:$0x3FAF]  }
0x2f: {  	lr =	sadd.s32 s0, s3;
	s0 =	sld [smem:$0x3FA6]  }
0x30: {  	s3 =	sld [smem:$0x3FA9]  }
0x31: {  	[smem:$0x3FB2] =	sst s10  }
0x32: {  	s10 =	sld [smem:$0x3FB0];
	_ =	sdelay $0x3  }
0x33: {  	p0 =	seq.s32 s10, $0x1;
	s10 =	sld [smem:$0x3FB2];
	_ =	sdelay $0x3  }
0x34: {  	[smem:$0x3FB2] =	sst s10  }
0x35: {  	s10 =	sld [smem:$0x3FB1];
	_ =	sdelay $0x3  }
0x36: {  	p1 =	seq.s32 s10, $0x1;
	s10 =	sld [smem:$0x3FB2];
	_ =	sdelay $0x3  }
0x37: {  	[smem:$0x3FB2] =	sst s10  }
0x38: {  	s10 =	sld [smem:$0x3FB3]  }
0x39: {  	_ = 	snop;
	(pc) =	sbr.ind lr, $3  }
0x3a: {  	_ = 	snop  }
0x3b: {  	_ = 	snop  }
0x3c: {  	p2 =	seq.s32 s10, $0x1;
	s10 =	sld [smem:$0x3FB2]  }
0x3d: {  	_ =	shalt  }
0x3e: {  	_ =	shalt  }
0x3f: {  	_ =	shalt  }
0x40: {  	_ =	shalt  }
0x41: {  	_ =	shalt  }
0x42: {  	_ =	shalt  }
0x43: {  	_ =	shalt  }
0x44: {  	_ =	shalt  }
0x45: {  	_ =	shalt  }
0x46: {  	_ =	shalt  }
0x47: {  	_ =	shalt  }
0x48: {  	_ =	shalt  }
0x49: {  	_ =	shalt  }
0x4a: {  	_ =	shalt  }
0x4b: {  	_ =	shalt  }
0x4c: {  	_ =	shalt  }
0x4d: {  	_ =	shalt  }
0x4e: {  	_ =	shalt  }
0x4f: {  	_ =	shalt  }
0x50: {  	_ =	shalt  }
0x51: {  	_ =	shalt  }
0x52: {  	_ =	shalt  }
0x53: {  	_ =	shalt  }
0x54: {  	_ =	shalt  }
0x55: {  	_ =	shalt  }
0x56: {  	_ =	shalt  }
0x57: {  	_ =	shalt  }
0x58: {  	_ =	shalt  }
0x59: {  	_ =	shalt  }
0x5a: {  	_ =	shalt  }
0x5b: {  	_ =	shalt  }
0x5c: {  	_ =	shalt  }
0x5d: {  	_ =	shalt  }
0x5e: {  	_ =	shalt  }
0x5f: {  	_ =	shalt  }
0x60: {  	_ =	shalt  }
0x61: {  	_ =	shalt  }
0x62: {  	_ =	shalt  }
0x63: {  	_ =	shalt  }
0x64: {  	_ =	shalt  }
0x65: {  	_ =	shalt  }
0x66: {  	_ =	shalt  }
0x67: {  	_ =	shalt  }
0x68: {  	_ =	shalt  }
0x69: {  	_ =	shalt  }
0x6a: {  	_ =	shalt  }
0x6b: {  	_ =	shalt  }
0x6c: {  	_ =	shalt  }
0x6d: {  	_ =	shalt  }
0x6e: {  	_ =	shalt  }
0x6f: {  	_ =	shalt  }
0x70: {  	_ =	shalt  }
0x71: {  	_ =	shalt  }
0x72: {  	_ =	shalt  }
0x73: {  	_ =	shalt  }
0x74: {  	_ =	shalt  }
0x75: {  	_ =	shalt  }
0x76: {  	_ =	shalt  }
0x77: {  	_ =	shalt  }
0x78: {  	_ =	shalt  }
0x79: {  	_ =	shalt  }
0x7a: {  	_ =	shalt  }
0x7b: {  	_ =	shalt  }
0x7c: {  	_ =	shalt  }
0x7d: {  	_ =	shalt  }
0x7e: {  	_ =	shalt  }
0x7f: {  	_ =	shalt  }
0x80: {  	_ =	shalt  }
0x81: {  	_ =	shalt  }
0x82: {  	_ =	shalt  }
0x83: {  	_ =	shalt  }
0x84: {  	_ =	shalt  }
0x85: {  	_ =	shalt  }
0x86: {  	_ =	shalt  }
0x87: {  	_ =	shalt  }
.Lfunc_end0:
.L_simem_size_0:
called_computation_lowered:
.L_overlay_start_0:
0x88: {  	s2 =	sld [smem:$0x3FD9]  }
0x89: {  	s3 =	sld [smem:$0x3FFE];
	_ =	sdelay $0x1  }
0x8a: {  	s1 =	srdreg.scid  }
0x8b: {  	s0 =	sand.u32 $0x1, s1  }
0x8c: {  	s17 =	sshll.u32 s0, $0xA;
	s2 =	sadd.s32 s3, s2  }
0x8d: {  	s2 =	sadd.s32 s2, s17  }
0x8e: {  	[smem:$0x3FBE] =	sst s2  }
0x8f: {  	_ = 	snop  }
0x90: {  	s18 =	sld [smem:$0x3FC1];
	(tm) =	ssettm $0x1  }
0x91: {  	s19 =	sld [smem:$0x3FFB];
	_ =	sdelay $0x3  }
0x92: {  	_ =	strace s19  }
0x93: {  	s2 =	sld [smem:$0x3FFC];
	_ =	sdelay $0x3  }
0x94: {  	_ =	strace s2  }
0x95: {  	s2 =	sld [smem:$0x3FFD];
	_ =	sdelay $0x3  }
0x96: {  	_ =	strace s2  }
0x97: {  	_ =	strace $0x8FFFFFFF  }
0x98: {  	s20 =	sld [smem:$0x3FDB];
	_ =	sdelay $0x1  }
0x99: {  	s4 =	simm.s32 $_scs_section_size  }
0x9a: {  	s5 =	simm.s32 $_size__tile_overlayer_lowered;
	s6 =	simm.s32 $_tile_overlayer_lowered  }
0x9b: {  	s7 =	simm.s32 $0x1BFF;
	s21 =	sshll.u32 s6, $0x1;
	s4 =	sadd.s32 s4, s20  }
0x9c: {  	s22 =	simm.s32 $0x0;
	s5 =	sshll.u32 s5, $0x1;
	s6 =	sadd.s32 s21, s4  }
0x9d: {  	[timem:s22], [sflag:s7] =	dma.local [hbm:s6], s5  }
0x9e: {  	_ =	swait.ge [sflag:s7], s5  }
0x9f: {  	s5 =	ssub.s32 $0x0, s5;
	[sflag:s7] =	ssyncset.done $0x0  }
0xa0: {  	[sflag:s7] =	ssyncadd.s32 s5;
	_ =	sdelay $0x1  }
0xa1: {  	s23 =	simm.s32 $0x1B8B  }
0xa2: {  	_ =	swait.ge [sflag:s23], $0x1  }
0xa3: {  	[sflag:s23] =	ssyncset.done $0x0  }
0xa4: {  	[sflag:s23] =	ssyncadd.s32 $0xFFFFFFFF  }
0xa5: {  	s5 =	sld [smem:$0x0]  }
0xa6: {  	s6 =	sand.u32 $0xFFFFFFFE, s1  }
0xa7: {  	p0 =	sne.s32 s1, s6  }
0xa8: {  	s6 =	sshll.u32 @p0 s6, $0xE  }
0xa9: {  	s6 =	sadd.s32 @p0 $0x11B8D, s6;
	s7 =	sshll.u32 @p0 s5, $0x11  }
0xaa: {  	s6 =	sor.u32 @p0 s7, s6  }
0xab: {  	[sflag:s6] =	ssyncadd.remote.s32 @p0 $0x1;
	_ =	sdelay $0x1  }
0xac: {  	s6 =	simm.s32 @p0 $0x1B8D  }
0xad: {  	_ =	swait.eq @p0 [sflag:s6], $0x1  }
0xae: {  	[sflag:s6] =	ssyncadd.s32 @p0 $0xFFFFFFFF  }
0xaf: {  	s7 =	sshll.u32 @!p0 s1, $0xE  }
0xb0: {  	s7 =	sor.u32 @!p0 $0x4000, s7;
	s6 =	simm.s32 @!p0 $0x1B8D  }
0xb1: {  	s5 =	sshll.u32 @!p0 s5, $0x11;
	s7 =	sadd.s32 @!p0 $0x11B8D, s7;
	_ =	swait.eq @!p0 [sflag:s6], $0x1  }
0xb2: {  	s5 =	sor.u32 @!p0 s5, s7;
	[sflag:s6] =	ssyncadd.s32 @!p0 $0xFFFFFFFF  }
0xb3: {  	s25 =	simm.s32 $0x1B8E;
	s24 =	sld [smem:$0x3FFE];
	[sflag:s5] =	ssyncadd.remote.s32 @!p0 $0x1  }
0xb4: {  	s26 =	simm.s32 $execute0_lowered;
	[smem:$0x3FD2] =	sst s25  }
0xb5: {  	s6 =	sshll.u32 s26, $0x1;
	_ =	strace $0x80000050;
	[dreg:$0x1] =	wrdreg $0xFFFFFFFF  }
0xb6: {  	s28 =	simm.s32 $_size_execute0_lowered;
	s4 =	sadd.s32 s4, s6;
	[dreg:$0x0] =	wrdreg $0x0  }
0xb7: {  	s6 =	sshll.u32 s28, $0x1;
	[dreg:$0x2] =	wrdreg s4  }
0xb8: {  	[dreg:$0x3] =	wrdreg s6  }
0xb9: {  	[dreg:$0x4] =	wrdreg $0xC0  }
0xba: {  	_ =	task [dreg:s22], $0x5FFFF  }
0xbb: {  	[dreg:$0x1] =	wrdreg $0xFFFFFFFF  }
0xbc: {  	[dreg:$0x0] =	wrdreg $0x60  }
0xbd: {  	[dreg:$0x2] =	wrdreg s18  }
0xbe: {  	[dreg:$0x3] =	wrdreg s24  }
0xbf: {  	[dreg:$0x4] =	wrdreg $0x9  }
0xc0: {  	_ =	task.clear_ibuf [dreg:s22], $0x5FFFF;
	_ =	strace $0x90000050  }
0xc1: {  	s29 =	simm.s32 $0x9;
	_ =	strace $0x80000059  }
0xc2: {  	_ =	swait.ge [sflag:s29], $0x1  }
0xc3: {  	[sflag:s29] =	ssyncadd.s32 $0xFFFFFFFF  }
0xc4: {  	_ =	strace $0x90000059  }
0xc5: {  	_ =	sfence  }
0xc6: {  	s30 =	sld [smem:$0x0];
	_ =	sdelay $0x2  }
0xc7: {  	s31 =	sshll.u32 s1, $0xD;
	s1 =	sshrl.u32 s1, $0x2  }
0xc8: {  	s4 =	sand.u32 $0x4000, s31;
	s1 =	sadd.s32 s1, s30  }
0xc9: {  	s0 =	sor.u32 s4, s0;
	s1 =	sshll.u32 s1, $0x11  }
0xca: {  	s0 =	sor.u32 s1, s0  }
0xcb: {  	s0 =	sadd.s32 $0x8F2B, s0  }
0xcc: {  	[sflag:s0] =	ssyncadd.remote.s32 $0x1  }
0xcd: {  	_ =	sfence.sel $0xFFFF  }
0xce: {  	[dreg:$0x0] =	wrdreg $0xFFFFFFFF;
	(pc) =	sbr.abs _section_cstart, $3  }
0xcf: {  	[dreg:$0x1] =	wrdreg $0xFFFFFFFF  }
0xd0: {  	_ =	task.clear_ibuf [dreg:s22], $0x2FFFF;
	_ =	strace $0x9FFFFFFF  }
0xd1: {  	(tm) =	ssettm $0x7FFFFFFF  }
tec
execute0_lowered:
.L_overlay_start_1:
0x0: {  	(tag) =	ssettag $0x1  }
0x1: {  	s0 =	rddreg [dreg:$0x0]  }
0x2: {  	s3 =	rddreg [dreg:$0x1];
	s1 =	srdreg.scid;
	s2 =	simm.s32 $0x0  }
0x3: {  	s31 =	simm.s32 $0x80;
	s9 =	simm.s32 $0x4;
	[dreg:$0x3] =	wrdreg s0  }
0x4: {  	s10 =	simm.s32 $0x0;
	s0 =	rddreg [dreg:$0x2];
	s4 =	sand.u32 $0x1, s1  }
0x5: {  	[smem:$0x7FF] =	sst s2;
	s1 =	stileid.u32;
	s6 =	sadd.s32 $0x457800, s3  }
0x6: {  	s3 =	sadd.s32 $0xF000, s3;
	s5 =	sshll.u32 s4, $0x4;
	_ =	strace $0x80000051  }
0x7: {  	s4 =	ssub.s32 $0x2, s4;
	[dreg:$0x5] =	wrdreg s6;
	s5 =	sor.u32 s1, s5  }
0x8: {  	[dreg:$0x4] =	wrdreg s31;
	s7 =	sshrl.u32 s4, $0x1;
	s8 =	smul.u32 $0x440, s5  }
0x9: {  	s30 =	ssub.s32 s4, s7;
	s4 =	smul.u32 $0x44, s5;
	s7 =	simm.s32 $0x1  }
0xa: {  	s6 =	smax.u32 s30, $0x1;
	s5 =	sadd.s32 s3, s8;
	s8 =	simm.s32 $0x5  }
.LBB2_1:
0xb: {  	_ =	strace $0x80000052;
	s11 =	simm.s32 $0x1;
	p0 =	por $0x0, $0x0  }
0xc: {  	[tilespmem:s2], [sflag:$0x1] =	stream.linear.gather [hbm4b:s5+s2], $0x80, $0x200038;
	[tilespmem:$0x8100] =	vst v63  }
0xd: {  	s11 =	simm.s32 @p0 $0x0  }
0xe: {  	p4 =	por $0x1, $0x1;
	s20 =	sand.u32 $0x1, s2;
	p1 =	sne.s32 s11, $0x0  }
0xf: {  	p2 =	por $0x1, $0x1;
	s18 =	simm.s32 $0x42;
	p0 =	por !p4, !p1  }
0x10: {  	s16 =	simm.s32 $0x0;
	p5 =	por $0x0, $0x0;
	p0 =	por !p0, !p0  }
0x11: {  	s23 =	sadd.s32 $0x0, s4;
	s30 =	sadd.s32 $0x1, s20;
	s12 =	sadd.s32 @p0 s4, s11  }
0x12: {  	_ =	strace $0x90000052;
	s13 =	sand.u32 @p0 $0x1, s7;
	s12 =	sshll.u32 @p0 s12, $0x4  }
0x13: {  	_ =	strace @p0 $0x80000053;
	s15 =	simm.s32 @p0 $0x0;
	s12 =	sand.u32 @p0 $0x1FFFFFF0, s12  }
0x14: {  	s14 =	sshll.u32 @p0 s13, $0x7;
	s13 =	sadd.s32 @p0 $0x1, s13;
	s12 =	sadd.s32 @p0 s3, s12  }
0x15: {  	[tilespmem:s14], [sflag:s13] =	stream.linear.gather @p0 [hbm4b:s12+s15], $0x80, $0x200038;
	[tilespmem:$0x8100] =	vst v63  }
0x16: {  	p3 =	por p2, p2;
	s21 =	sshll.u32 s20, $0xE;
	_ =	strace @p0 $0x90000053  }
0x17: {  	s16 =	sand.u32 $0x80, s16;
	p2 =	por p5, p5;
	_ =	strace $0x80000054  }
0x18: {  	s17 =	sadd.s32 $0x1, s11;
	s22 =	sor.u32 $0x100, s21;
	_ =	swait.ge [sflag:s30], $0x80  }
0x19: {  	s21 =	simm.s32 $0x1;
	p6 =	por p1, p1;
	[sflag:s30] =	ssyncset.done $0x0  }
0x1a: {  	p1 =	por p3, p3;
	p4 =	por $0x1, $0x1;
	[sflag:s30] =	ssyncadd.s32 $0xFFFFFF80  }
0x1b: {  	s12 =	simm.s32 $0x43;
	s15 =	sand.u32 @!p3 $0x1, s2;
	_ =	strace $0x90000054  }
0x1c: {  	s13 =	simm.s32 $0x1;
	p3 =	seq.s32 s17, $0x44;
	_ =	strace $0x80000055  }
0x1d: {  	s13 =	simm.s32 @!p0 $0x0;
	s17 =	simm.s32 @p3 $0x0;
	s19 =	rddreg [dreg:$0x4]  }
0x1e: {  	p0 =	por $0x0, $0x0;
	s14 =	sadd.s32 $0x1, s13;
	s31 =	rddreg [dreg:$0x3]  }
0x1f: {  	[tilespmem:s22], [sflag:$0x5] =	stream.indirect.gather [hbm4b:s31+s19], $0x80, s16, s19, $0x2000b8;
	[tilespmem:$0x8100] =	vst v63  }
0x20: {  	p3 =	sne.s32 s11, s17;
	s21 =	simm.s32 @!p0 $0x0;
	_ =	swait.ge [sflag:s8], $0x4000  }
0x21: {  	p5 =	por !p4, !p3;
	p4 =	por $0x0, $0x0;
	[sflag:s8] =	ssyncset.done $0x0  }
0x22: {  	s13 =	simm.s32 $0x0;
	p6 =	por p4, p6;
	[sflag:s8] =	ssyncadd.s32 $0xFFFFC000  }
0x23: {  	s16 =	simm.s32 $0x0;
	s19 =	simm.s32 $0x0;
	_ =	strace $0x90000055  }
.LBB2_2:
0x24: {  	_ =	strace @p6 $0x80000056;
	s13 =	sadd.s32 s21, s13;
	s21 =	smov.u32 s12  }
0x25: {  	s12 =	smov.u32 s18;
	s18 =	sadd.s32 $0xFFFFFFFF, s18;
	p0 =	por p3, p3  }
0x26: {  	s28 =	sshll.u32 @p6 s23, $0xB;
	s20 =	sadd.s32 @p6 $0x3, s20;
	s24 =	simm.s32 @!p0 $0x0  }
0x27: {  	s25 =	rddreg [dreg:$0x5];
	s28 =	sand.u32 @p6 $0x1FFFF800, s28;
	s24 =	simm.s32 @p0 $0x1  }
0x28: {  	s25 =	sadd.s32 @p6 s25, s28;
	s28 =	simm.s32 @p6 $0x0;
	p0 =	sne.s32 s18, $0x0  }
0x29: {  	[hbm4b:s25+s28] =	stream.linear.scatter @p6 [tilespmem:s22], [sflag:s20], $0x4000, $0x200038;
	[tilespmem:$0x8100] =	vst v63  }
0x2a: {  	s20 =	sadd.s32 @!p1 $0x3, s15;
	s15 =	simm.s32 @!p0 $0x0  }
0x2b: {  	s26 =	simm.s32 $0x1;
	[smem:$0x7FC] =	sst s24;
	s15 =	simm.s32 @p0 $0x1  }
0x2c: {  	s26 =	simm.s32 @!p6 $0x0;
	_ =	strace @p6 $0x90000056;
	[smem:$0x7FD] =	sst s15  }
0x2d: {  	p5 =	por !p5, !p5;
	s19 =	sadd.s32 s26, s19;
	_ =	strace @!p1 $0x80000057  }
0x2e: {  	s24 =	sand.u32 @!p2 $0x1, s13;
	s22 =	sand.u32 @p5 $0x1, s14;
	_ =	swait.ge @!p1 [sflag:s20], $0x4000  }
0x2f: {  	s15 =	smov.u32 s24;
	s24 =	sadd.s32 @p5 s4, s17;
	[sflag:s20] =	ssyncset.done @!p1 $0x0  }
0x30: {  	s25 =	sshll.u32 @p5 s22, $0x7;
	s24 =	sshll.u32 @p5 s24, $0x4;
	[sflag:s20] =	ssyncadd.s32 @!p1 $0xFFFFC000  }
0x31: {  	s20 =	sadd.s32 @p5 $0x1, s22;
	s22 =	sand.u32 @p5 $0x1FFFFFF0, s24;
	_ =	strace @!p1 $0x90000057  }
0x32: {  	s24 =	simm.s32 @p5 $0x0;
	s22 =	sadd.s32 @p5 s3, s22;
	_ =	strace @p5 $0x80000053  }
0x33: {  	[tilespmem:s25], [sflag:s20] =	stream.linear.gather @p5 [hbm4b:s22+s24], $0x80, $0x200038;
	[tilespmem:$0x8100] =	vst v63  }
0x34: {  	s16 =	sadd.s32 s26, s16;
	s26 =	sand.u32 $0x1, s19;
	_ =	strace @p5 $0x90000053  }
0x35: {  	s24 =	sadd.s32 $0x1, s26;
	_ =	strace $0x80000054  }
0x36: {  	_ =	swait.ge [sflag:s24], $0x80  }
0x37: {  	[sflag:s24] =	ssyncset.done $0x0  }
0x38: {  	s20 =	simm.s32 $0x1;
	[sflag:s24] =	ssyncadd.s32 $0xFFFFFF80  }
0x39: {  	s20 =	simm.s32 @!p5 $0x0;
	_ =	strace $0x90000054  }
0x3a: {  	s14 =	sadd.s32 s20, s14;
	s20 =	sand.u32 $0x1, s16;
	_ =	strace $0x80000055  }
0x3b: {  	s29 =	sshll.u32 s19, $0x7;
	s25 =	sshll.u32 s20, $0xE;
	s26 =	rddreg [dreg:$0x4]  }
0x3c: {  	s29 =	sand.u32 $0x80, s29;
	s22 =	sor.u32 $0x100, s25;
	s30 =	rddreg [dreg:$0x3]  }
0x3d: {  	[tilespmem:s22], [sflag:$0x5] =	stream.indirect.gather [hbm4b:s30+s26], $0x80, s29, s26, $0x2000b8;
	[tilespmem:$0x8100] =	vst v63  }
0x3e: {  	_ =	swait.ge [sflag:s8], $0x4000  }
0x3f: {  	s31 =	sadd.s32 $0x1, s17;
	[sflag:s8] =	ssyncset.done $0x0  }
0x40: {  	s23 =	sadd.s32 s4, s11;
	s11 =	smov.u32 s17;
	[sflag:s8] =	ssyncadd.s32 $0xFFFFC000  }
0x41: {  	p3 =	seq.s32 s31, $0x44;
	s17 =	smov.u32 s31;
	_ =	strace $0x90000055  }
0x42: {  	s17 =	simm.s32 @p3 $0x0;
	s31 =	sld [smem:$0x7FD]  }
0x43: {  	p6 =	sne.s32 s12, $0x1;
	p0 =	sne.s32 s21, $0x44;
	p3 =	sne.s32 s11, s17  }
0x44: {  	p5 =	por !p6, !p3;
	p6 =	seq.s32 s21, $0x1;
	s21 =	simm.s32 $0x1  }
0x45: {  	s21 =	simm.s32 @!p0 $0x0;
	p0 =	seq.s32 s31, $0x1  }
.Ltmp0:
0x46: {  	s30 =	sld [smem:$0x7FC];
	(pc) =	sbr.rel @p0 .LBB2_2-.Ltmp0, $4  }
0x47: {  	_ = 	snop  }
0x48: {  	p4 =	seq.s32 s12, $0x44  }
0x49: {  	p1 =	por p2, p2;
	p2 =	por p4, p4;
	p4 =	seq.s32 s30, $0x1  }
0x4a: {  	p6 =	por p6, p4  }
0x4b: {  	_ =	strace @p6 $0x80000056;
	s23 =	sshll.u32 @p6 s23, $0xB  }
0x4c: {  	s18 =	rddreg [dreg:$0x5];
	s23 =	sand.u32 @p6 $0x1FFFF800, s23  }
0x4d: {  	s20 =	sadd.s32 @p6 $0x3, s20;
	s18 =	sadd.s32 @p6 s18, s23;
	s23 =	simm.s32 @p6 $0x0  }
0x4e: {  	[hbm4b:s18+s23] =	stream.linear.scatter @p6 [tilespmem:s22], [sflag:s20], $0x4000, $0x200038;
	[tilespmem:$0x8100] =	vst v63  }
0x4f: {  	p0 =	por !p5, !p5;
	_ =	strace @p6 $0x90000056  }
0x50: {  	s15 =	sadd.s32 @!p1 $0x3, s15;
	s17 =	sadd.s32 @p0 s4, s17;
	_ =	strace @!p1 $0x80000057  }
0x51: {  	s14 =	sand.u32 @p0 $0x1, s14;
	s17 =	sshll.u32 @p0 s17, $0x4;
	_ =	swait.ge @!p1 [sflag:s15], $0x4000  }
0x52: {  	s18 =	simm.s32 $0x1;
	s20 =	sshll.u32 @p0 s14, $0x7;
	[sflag:s15] =	ssyncset.done @!p1 $0x0  }
0x53: {  	s14 =	sadd.s32 @p0 $0x1, s14;
	s18 =	simm.s32 @!p6 $0x0;
	[sflag:s15] =	ssyncadd.s32 @!p1 $0xFFFFC000  }
0x54: {  	s19 =	sadd.s32 s18, s19;
	s15 =	sand.u32 @p0 $0x1FFFFFF0, s17;
	_ =	strace @!p1 $0x90000057  }
0x55: {  	s17 =	simm.s32 @p0 $0x0;
	s15 =	sadd.s32 @p0 s3, s15;
	_ =	strace @p0 $0x80000053  }
0x56: {  	[tilespmem:s20], [sflag:s14] =	stream.linear.gather @p0 [hbm4b:s15+s17], $0x80, $0x200038;
	[tilespmem:$0x8100] =	vst v63  }
0x57: {  	s25 =	sand.u32 $0x1, s19;
	_ =	strace @p0 $0x90000053  }
0x58: {  	s14 =	sadd.s32 $0x1, s25;
	_ =	strace $0x80000054  }
0x59: {  	_ =	swait.ge [sflag:s14], $0x80  }
0x5a: {  	[sflag:s14] =	ssyncset.done $0x0  }
0x5b: {  	[sflag:s14] =	ssyncadd.s32 $0xFFFFFF80  }
0x5c: {  	s26 =	sadd.s32 s18, s16;
	_ =	strace $0x90000054  }
0x5d: {  	s14 =	sand.u32 $0x1, s26;
	_ =	strace $0x80000055  }
0x5e: {  	s30 =	sshll.u32 s19, $0x7;
	s31 =	sshll.u32 s14, $0xE;
	s28 =	rddreg [dreg:$0x4]  }
0x5f: {  	s17 =	sand.u32 $0x80, s30;
	s18 =	sor.u32 $0x100, s31;
	s29 =	rddreg [dreg:$0x3]  }
0x60: {  	[tilespmem:s18], [sflag:$0x5] =	stream.indirect.gather [hbm4b:s29+s28], $0x80, s17, s28, $0x2000b8;
	[tilespmem:$0x8100] =	vst v63  }
0x61: {  	_ =	swait.ge [sflag:s8], $0x4000  }
0x62: {  	[sflag:s8] =	ssyncset.done $0x0  }
0x63: {  	p5 =	por p3, p3;
	p6 =	seq.s32 s12, $0x1;
	[sflag:s8] =	ssyncadd.s32 $0xFFFFC000  }
0x64: {  	s11 =	sadd.s32 s4, s11;
	p0 =	por p6, p5;
	_ =	strace $0x90000055  }
0x65: {  	s11 =	sshll.u32 @p0 s11, $0xB;
	_ =	strace @p0 $0x80000056  }
0x66: {  	s13 =	sadd.s32 s21, s13;
	s11 =	sand.u32 @p0 $0x1FFFF800, s11;
	s12 =	rddreg [dreg:$0x5]  }
0x67: {  	s14 =	sadd.s32 @p0 $0x3, s14;
	s11 =	sadd.s32 @p0 s12, s11;
	s12 =	simm.s32 @p0 $0x0  }
0x68: {  	[hbm4b:s11+s12] =	stream.linear.scatter @p0 [tilespmem:s18], [sflag:s14], $0x4000, $0x200038;
	[tilespmem:$0x8100] =	vst v63  }
0x69: {  	p1 =	por p2, p2;
	s11 =	sand.u32 @!p2 $0x1, s13;
	_ =	strace @p0 $0x90000056  }
0x6a: {  	s11 =	sadd.s32 @!p1 $0x3, s11;
	_ =	strace @!p1 $0x80000057  }
0x6b: {  	_ =	swait.ge @!p1 [sflag:s11], $0x4000  }
0x6c: {  	[sflag:s11] =	ssyncset.done @!p1 $0x0  }
0x6d: {  	s10 =	sadd.s32 $0x1, s10;
	[sflag:s11] =	ssyncadd.s32 @!p1 $0xFFFFC000  }
0x6e: {  	p0 =	sne.s32 s10, s6;
	_ =	strace @!p1 $0x90000057  }
.Ltmp1:
0x6f: {  	_ =	strace $0x80000058;
	(pc) =	sbr.rel @p0 .LBB2_1-.Ltmp1, $4  }
0x70: {  	_ =	swait.ge [sflag:s9], $0x4000  }
0x71: {  	[sflag:s9] =	ssyncset.done $0x0  }
0x72: {  	[sflag:s9] =	ssyncadd.s32 $0xFFFFC000  }
0x73: {  	_ =	strace $0x90000058  }
0x74: {  	_ =	sfence.sel $0x180000  }
0x75: {  	[bflag:$0x0] =	sbarrier.arrive $0xFFFF  }
0x76: {  	p0 =	sne.s32 s1, $0x0;
	_ =	strace $0x90000051  }
0x77: {  	s0 =	sadd.s32 @!p0 $0x100000, s0;
	[bflag:$0x2] =	sbarrier.arrive $0xFFFF  }
0x78: {  	[sflag:s0] =	ssyncadd.tile.s32 @!p0 $0x1;
	_ =	shalt  }
.Lfunc_end2:
_tile_overlayer_lowered:
.L_overlay_start_2:
0x79: {  	(tag) =	ssettag $0x2  }
0x7a: {  	s0 =	rddreg [dreg:$0x0];
	s2 =	stileid.u32  }
0x7b: {  	s1 =	rddreg [dreg:$0x1];
	p0 =	sne.s32 s2, $0x0  }
0x7c: {  	s3 =	rddreg [dreg:$0x2];
	[bflag:$0x3] =	sbarrier.arrive $0xFFFF;
	s2 =	simm.s32 @!p0 $0x1C01  }
0x7d: {  	[timem:s3], [sflag:s2] =	dma.local @!p0 [hbm:s0], s1  }
0x7e: {  	s0 =	simm.s32 @!p0 $0x1  }
0x7f: {  	_ =	swait.ge @!p0 [sflag:s0], s1  }
0x80: {  	s1 =	ssub.s32 @!p0 $0x0, s1;
	[sflag:s0] =	ssyncset.done @!p0 $0x0  }
0x81: {  	[sflag:s0] =	ssyncadd.s32 @!p0 s1  }
0x82: {  	[bflag:$0x3] =	sbarrier.arrive $0xFFFF  }
0x83: {  	_ =	shalt  }

// kernel: kernel.13.cloned.1.call-start
scs
__scs_entry_jumppad:
0x0: {  	(pc) =	sbr.rel $0x88, $3  }
0x1: {  	(tag) =	ssettag $0x0;
	lr =	simm.s32 $0x1  }
0x2: {  	[smem:$0x3F97] =	sst lr;
	_ =	strace $0xD0000000  }
0x3: {  	_ = 	snop  }
0x4: {  	_ = 	snop  }
0x5: {  	_ = 	snop  }
0x6: {  	_ = 	snop  }
0x7: {  	_ = 	snop  }
__scs_overlays_trampoline_lowered:
0x8: {  	[smem:$0x3FA6] =	sst s0  }
0x9: {  	[smem:$0x3FA7] =	sst s1  }
0xa: {  	[smem:$0x3FA8] =	sst s2  }
0xb: {  	[smem:$0x3FA9] =	sst s3  }
0xc: {  	[smem:$0x3FAA] =	sst s4  }
0xd: {  	[smem:$0x3FAB] =	sst s5  }
0xe: {  	[smem:$0x3FAC] =	sst s6  }
0xf: {  	[smem:$0x3FAD] =	sst s7  }
0x10: {  	[smem:$0x3FAE] =	sst s8  }
0x11: {  	[smem:$0x3FAF] =	sst s9;
	s0 =	simm.s32 @!p0 $0x0  }
0x12: {  	s1 =	sld [smem:$0x3F95];
	s0 =	simm.s32 @p0 $0x1  }
0x13: {  	[smem:$0x3FB0] =	sst s0;
	s0 =	simm.s32 @!p1 $0x0  }
0x14: {  	s2 =	sld [smem:$0x3F94];
	s0 =	simm.s32 @p1 $0x1  }
0x15: {  	[smem:$0x3FB1] =	sst s0;
	s0 =	simm.s32 @!p2 $0x0  }
0x16: {  	s3 =	sld [smem:$0x3FDB];
	s0 =	simm.s32 @p2 $0x1  }
0x17: {  	s4 =	simm.s32 $0x1BF5;
	[smem:$0x3FB3] =	sst s0  }
0x18: {  	s0 =	sld [smem:$0x3F96];
	_ =	swait.ge [sflag:s4], $0x0  }
0x19: {  	s7 =	sld [smem:$0x3F97]  }
0x1a: {  	s8 =	sadd.s32 $0xFFFFE003, lr  }
0x1b: {  	s9 =	sadd.s32 $0xFFFFFEF7, lr;
	s5 =	simm.s32 $0xFFFFFFFF;
	p2 =	slt.u32 s8, $0xFFFFF086  }
0x1c: {  	p1 =	slt.u32 s9, $0xF7A;
	s5 =	simm.s32 @!p2 $0x0  }
0x1d: {  	s5 =	simm.s32 @p1 $0x1;
	p0 =	seq.s32 s7, s2  }
0x1e: {  	s7 =	smul.u32 @!p0 $0xF7A, s2;
	p2 =	seq.s32 @!p0 s5, $0x0  }
0x1f: {  	s9 =	smul.u32 $0xF7A, s1;
	s8 =	simm.s32 @!p0 $0x1BF5;
	p2 =	por !p2, p0  }
0x20: {  	[sflag:s8] =	ssyncset.s32 @!p0 $0xFFFFF086;
	s6 =	sadd.s32 @!p0 s3, s7;
	s7 =	simm.s32 @!p0 $0x108  }
0x21: {  	s3 =	sadd.s32 s3, s9;
	s6 =	sadd.s32 @!p0 $0x88, s6;
	s7 =	simm.s32 @p2 $0x1082  }
0x22: {  	[simem:s7], [sflag:s8] =	dma.local @!p0 [hbm:s6], $0xF7A  }
0x23: {  	s9 =	sor.u32 $0xD0000000, s2;
	s6 =	simm.s32 $0x108;
	_ =	swait.ge @!p0 [sflag:s8], $0x0  }
0x24: {  	s3 =	sadd.s32 $0x88, s3;
	s6 =	simm.s32 @!p1 $0x1082;
	[sflag:s4] =	ssyncset.s32 $0xFFFFF086  }
0x25: {  	[simem:s6], [sflag:s4] =	dma.local [hbm:s3], $0xF7A  }
0x26: {  	[smem:$0x3F97] =	sst s1;
	(tag) =	ssettag s2;
	_ =	strace s9  }
0x27: {  	s1 =	sld [smem:$0x3FA7]  }
0x28: {  	s2 =	sld [smem:$0x3FA8]  }
0x29: {  	s4 =	sld [smem:$0x3FAA]  }
0x2a: {  	p0 =	seq.s32 s5, $0x0;
	s5 =	sld [smem:$0x3FAB]  }
0x2b: {  	s6 =	sld [smem:$0x3FAC]  }
0x2c: {  	s7 =	sld [smem:$0x3FAD]  }
0x2d: {  	s3 =	simm.s32 $0x108;
	s8 =	sld [smem:$0x3FAE]  }
0x2e: {  	s3 =	simm.s32 @!p0 $0x1082;
	s9 =	sld [smem:$0x3FAF]  }
0x2f: {  	lr =	sadd.s32 s0, s3;
	s0 =	sld [smem:$0x3FA6]  }
0x30: {  	s3 =	sld [smem:$0x3FA9]  }
0x31: {  	[smem:$0x3FB2] =	sst s10  }
0x32: {  	s10 =	sld [smem:$0x3FB0];
	_ =	sdelay $0x3  }
0x33: {  	p0 =	seq.s32 s10, $0x1;
	s10 =	sld [smem:$0x3FB2];
	_ =	sdelay $0x3  }
0x34: {  	[smem:$0x3FB2] =	sst s10  }
0x35: {  	s10 =	sld [smem:$0x3FB1];
	_ =	sdelay $0x3  }
0x36: {  	p1 =	seq.s32 s10, $0x1;
	s10 =	sld [smem:$0x3FB2];
	_ =	sdelay $0x3  }
0x37: {  	[smem:$0x3FB2] =	sst s10  }
0x38: {  	s10 =	sld [smem:$0x3FB3]  }
0x39: {  	_ = 	snop;
	(pc) =	sbr.ind lr, $3  }
0x3a: {  	_ = 	snop  }
0x3b: {  	_ = 	snop  }
0x3c: {  	p2 =	seq.s32 s10, $0x1;
	s10 =	sld [smem:$0x3FB2]  }
0x3d: {  	_ =	shalt  }
0x3e: {  	_ =	shalt  }
0x3f: {  	_ =	shalt  }
0x40: {  	_ =	shalt  }
0x41: {  	_ =	shalt  }
0x42: {  	_ =	shalt  }
0x43: {  	_ =	shalt  }
0x44: {  	_ =	shalt  }
0x45: {  	_ =	shalt  }
0x46: {  	_ =	shalt  }
0x47: {  	_ =	shalt  }
0x48: {  	_ =	shalt  }
0x49: {  	_ =	shalt  }
0x4a: {  	_ =	shalt  }
0x4b: {  	_ =	shalt  }
0x4c: {  	_ =	shalt  }
0x4d: {  	_ =	shalt  }
0x4e: {  	_ =	shalt  }
0x4f: {  	_ =	shalt  }
0x50: {  	_ =	shalt  }
0x51: {  	_ =	shalt  }
0x52: {  	_ =	shalt  }
0x53: {  	_ =	shalt  }
0x54: {  	_ =	shalt  }
0x55: {  	_ =	shalt  }
0x56: {  	_ =	shalt  }
0x57: {  	_ =	shalt  }
0x58: {  	_ =	shalt  }
0x59: {  	_ =	shalt  }
0x5a: {  	_ =	shalt  }
0x5b: {  	_ =	shalt  }
0x5c: {  	_ =	shalt  }
0x5d: {  	_ =	shalt  }
0x5e: {  	_ =	shalt  }
0x5f: {  	_ =	shalt  }
0x60: {  	_ =	shalt  }
0x61: {  	_ =	shalt  }
0x62: {  	_ =	shalt  }
0x63: {  	_ =	shalt  }
0x64: {  	_ =	shalt  }
0x65: {  	_ =	shalt  }
0x66: {  	_ =	shalt  }
0x67: {  	_ =	shalt  }
0x68: {  	_ =	shalt  }
0x69: {  	_ =	shalt  }
0x6a: {  	_ =	shalt  }
0x6b: {  	_ =	shalt  }
0x6c: {  	_ =	shalt  }
0x6d: {  	_ =	shalt  }
0x6e: {  	_ =	shalt  }
0x6f: {  	_ =	shalt  }
0x70: {  	_ =	shalt  }
0x71: {  	_ =	shalt  }
0x72: {  	_ =	shalt  }
0x73: {  	_ =	shalt  }
0x74: {  	_ =	shalt  }
0x75: {  	_ =	shalt  }
0x76: {  	_ =	shalt  }
0x77: {  	_ =	shalt  }
0x78: {  	_ =	shalt  }
0x79: {  	_ =	shalt  }
0x7a: {  	_ =	shalt  }
0x7b: {  	_ =	shalt  }
0x7c: {  	_ =	shalt  }
0x7d: {  	_ =	shalt  }
0x7e: {  	_ =	shalt  }
0x7f: {  	_ =	shalt  }
0x80: {  	_ =	shalt  }
0x81: {  	_ =	shalt  }
0x82: {  	_ =	shalt  }
0x83: {  	_ =	shalt  }
0x84: {  	_ =	shalt  }
0x85: {  	_ =	shalt  }
0x86: {  	_ =	shalt  }
0x87: {  	_ =	shalt  }
.Lfunc_end0:
.L_simem_size_0:
called_computation.1_lowered:
.L_overlay_start_0:
0x88: {  	s2 =	sld [smem:$0x3FD9]  }
0x89: {  	s3 =	sld [smem:$0x3FFE];
	_ =	sdelay $0x1  }
0x8a: {  	s1 =	srdreg.scid  }
0x8b: {  	s0 =	sand.u32 $0x1, s1  }
0x8c: {  	s17 =	sshll.u32 s0, $0xA;
	s2 =	sadd.s32 s3, s2  }
0x8d: {  	s2 =	sadd.s32 s2, s17  }
0x8e: {  	[smem:$0x3FBE] =	sst s2  }
0x8f: {  	_ = 	snop  }
0x90: {  	s2 =	sld [smem:$0x3FC0];
	(tm) =	ssettm $0x1  }
0x91: {  	s18 =	sld [smem:$0x3FFB];
	_ =	sdelay $0x3  }
0x92: {  	_ =	strace s18  }
0x93: {  	s3 =	sld [smem:$0x3FFC];
	_ =	sdelay $0x3  }
0x94: {  	_ =	strace s3  }
0x95: {  	s3 =	sld [smem:$0x3FFD];
	_ =	sdelay $0x3  }
0x96: {  	_ =	strace s3  }
0x97: {  	_ =	strace $0x8FFFFFFF  }
0x98: {  	s19 =	sld [smem:$0x3FDB];
	_ =	sdelay $0x1  }
0x99: {  	s4 =	simm.s32 $_scs_section_size  }
0x9a: {  	s5 =	simm.s32 $_size__tile_overlayer_lowered;
	s6 =	simm.s32 $_tile_overlayer_lowered  }
0x9b: {  	s22 =	simm.s32 $0x1BFF;
	s21 =	sshll.u32 s6, $0x1;
	s3 =	sadd.s32 s4, s19  }
0x9c: {  	s7 =	simm.s32 $0x0;
	s20 =	sshll.u32 s5, $0x1;
	s5 =	sadd.s32 s21, s3  }
0x9d: {  	[timem:s7], [sflag:s22] =	dma.local [hbm:s5], s20  }
0x9e: {  	_ =	swait.ge [sflag:s22], s20  }
0x9f: {  	s4 =	ssub.s32 $0x0, s20;
	[sflag:s22] =	ssyncset.done $0x0  }
0xa0: {  	[sflag:s22] =	ssyncadd.s32 s4;
	_ =	sdelay $0x1  }
0xa1: {  	s23 =	simm.s32 $0x1B8B  }
0xa2: {  	_ =	swait.ge [sflag:s23], $0x1  }
0xa3: {  	[sflag:s23] =	ssyncset.done $0x0  }
0xa4: {  	s25 =	simm.s32 $0x1B8E;
	s24 =	sld [smem:$0x3FFE];
	[sflag:s23] =	ssyncadd.s32 $0xFFFFFFFF  }
0xa5: {  	s26 =	simm.s32 $execute0_lowered;
	[smem:$0x3FD2] =	sst s25  }
0xa6: {  	s5 =	sshll.u32 s26, $0x1;
	_ =	strace $0x80000046;
	[dreg:$0x1] =	wrdreg $0xFFFFFFFF  }
0xa7: {  	s28 =	simm.s32 $_size_execute0_lowered;
	s3 =	sadd.s32 s3, s5;
	[dreg:$0x0] =	wrdreg $0x0  }
0xa8: {  	s5 =	sshll.u32 s28, $0x1;
	[dreg:$0x2] =	wrdreg s3  }
0xa9: {  	[dreg:$0x3] =	wrdreg s5  }
0xaa: {  	[dreg:$0x4] =	wrdreg $0xC0  }
0xab: {  	_ =	task [dreg:s7], $0x5FFFF  }
0xac: {  	[dreg:$0x1] =	wrdreg $0xFFFFFFFF  }
0xad: {  	[dreg:$0x0] =	wrdreg $0x60  }
0xae: {  	[dreg:$0x2] =	wrdreg s2  }
0xaf: {  	[dreg:$0x3] =	wrdreg s24  }
0xb0: {  	[dreg:$0x4] =	wrdreg $0xA  }
0xb1: {  	_ =	task.clear_ibuf [dreg:s7], $0x5FFFF;
	_ =	strace $0x90000046  }
0xb2: {  	s29 =	simm.s32 $0xA;
	_ =	strace $0x8000004F  }
0xb3: {  	_ =	swait.ge [sflag:s29], $0x1  }
0xb4: {  	[sflag:s29] =	ssyncadd.s32 $0xFFFFFFFF  }
0xb5: {  	_ =	strace $0x9000004F  }
0xb6: {  	_ =	sfence  }
0xb7: {  	s30 =	sld [smem:$0x0];
	_ =	sdelay $0x2  }
0xb8: {  	s31 =	sshll.u32 s1, $0xD;
	s1 =	sshrl.u32 s1, $0x2  }
0xb9: {  	s3 =	sand.u32 $0x4000, s31;
	s1 =	sadd.s32 s1, s30  }
0xba: {  	s0 =	sor.u32 s3, s0;
	s1 =	sshll.u32 s1, $0x11  }
0xbb: {  	s0 =	sor.u32 s1, s0  }
0xbc: {  	s0 =	sadd.s32 $0x8F2B, s0  }
0xbd: {  	[sflag:s0] =	ssyncadd.remote.s32 $0x1  }
0xbe: {  	_ =	sfence.sel $0xFFFF  }
0xbf: {  	[dreg:$0x0] =	wrdreg $0xFFFFFFFF;
	(pc) =	sbr.abs _section_cstart, $3  }
0xc0: {  	[dreg:$0x1] =	wrdreg $0xFFFFFFFF  }
0xc1: {  	_ =	task.clear_ibuf [dreg:s7], $0x2FFFF;
	_ =	strace $0x9FFFFFFF  }
0xc2: {  	(tm) =	ssettm $0x7FFFFFFF  }
0xc3: {  	_ =	shalt  }
tec
execute0_lowered:
.L_overlay_start_1:
0x0: {  	(tag) =	ssettag $0x1  }
0x1: {  	s0 =	rddreg [dreg:$0x0]  }
0x2: {  	s3 =	rddreg [dreg:$0x1];
	s1 =	srdreg.scid;
	s2 =	simm.s32 $0x0  }
0x3: {  	s31 =	simm.s32 $0x80;
	s9 =	simm.s32 $0x4;
	[dreg:$0x3] =	wrdreg s0  }
0x4: {  	s10 =	simm.s32 $0x0;
	s0 =	rddreg [dreg:$0x2];
	s4 =	sand.u32 $0x1, s1  }
0x5: {  	[smem:$0x7FF] =	sst s2;
	s1 =	stileid.u32;
	s6 =	sadd.s32 $0x17800, s3  }
0x6: {  	s3 =	sadd.s32 $0xF000, s3;
	s5 =	sshll.u32 s4, $0x4;
	_ =	strace $0x80000047  }
0x7: {  	s4 =	ssub.s32 $0x2, s4;
	[dreg:$0x5] =	wrdreg s6;
	s5 =	sor.u32 s1, s5  }
0x8: {  	[dreg:$0x4] =	wrdreg s31;
	s7 =	sshrl.u32 s4, $0x1;
	s8 =	smul.u32 $0x440, s5  }
0x9: {  	s30 =	ssub.s32 s4, s7;
	s4 =	smul.u32 $0x44, s5;
	s7 =	simm.s32 $0x1  }
0xa: {  	s6 =	smax.u32 s30, $0x1;
	s5 =	sadd.s32 s3, s8;
	s8 =	simm.s32 $0x5  }
.LBB2_1:
0xb: {  	_ =	strace $0x80000048;
	s11 =	simm.s32 $0x1;
	p0 =	por $0x0, $0x0  }
0xc: {  	[tilespmem:s2], [sflag:$0x1] =	stream.linear.gather [hbm4b:s5+s2], $0x80, $0x200038;
	[tilespmem:$0x8100] =	vst v63  }
0xd: {  	s11 =	simm.s32 @p0 $0x0  }
0xe: {  	p4 =	por $0x1, $0x1;
	s20 =	sand.u32 $0x1, s2;
	p1 =	sne.s32 s11, $0x0  }
0xf: {  	p2 =	por $0x1, $0x1;
	s18 =	simm.s32 $0x42;
	p0 =	por !p4, !p1  }
0x10: {  	s16 =	simm.s32 $0x0;
	p5 =	por $0x0, $0x0;
	p0 =	por !p0, !p0  }
0x11: {  	s23 =	sadd.s32 $0x0, s4;
	s30 =	sadd.s32 $0x1, s20;
	s12 =	sadd.s32 @p0 s4, s11  }
0x12: {  	_ =	strace $0x90000048;
	s13 =	sand.u32 @p0 $0x1, s7;
	s12 =	sshll.u32 @p0 s12, $0x4  }
0x13: {  	_ =	strace @p0 $0x80000049;
	s15 =	simm.s32 @p0 $0x0;
	s12 =	sand.u32 @p0 $0x1FFFFFF0, s12  }
0x14: {  	s14 =	sshll.u32 @p0 s13, $0x7;
	s13 =	sadd.s32 @p0 $0x1, s13;
	s12 =	sadd.s32 @p0 s3, s12  }
0x15: {  	[tilespmem:s14], [sflag:s13] =	stream.linear.gather @p0 [hbm4b:s12+s15], $0x80, $0x200038;
	[tilespmem:$0x8100] =	vst v63  }
0x16: {  	p3 =	por p2, p2;
	s21 =	sshll.u32 s20, $0xE;
	_ =	strace @p0 $0x90000049  }
0x17: {  	s16 =	sand.u32 $0x80, s16;
	p2 =	por p5, p5;
	_ =	strace $0x8000004A  }
0x18: {  	s17 =	sadd.s32 $0x1, s11;
	s22 =	sor.u32 $0x100, s21;
	_ =	swait.ge [sflag:s30], $0x80  }
0x19: {  	s21 =	simm.s32 $0x1;
	p6 =	por p1, p1;
	[sflag:s30] =	ssyncset.done $0x0  }
0x1a: {  	p1 =	por p3, p3;
	p4 =	por $0x1, $0x1;
	[sflag:s30] =	ssyncadd.s32 $0xFFFFFF80  }
0x1b: {  	s12 =	simm.s32 $0x43;
	s15 =	sand.u32 @!p3 $0x1, s2;
	_ =	strace $0x9000004A  }
0x1c: {  	s13 =	simm.s32 $0x1;
	p3 =	seq.s32 s17, $0x44;
	_ =	strace $0x8000004B  }
0x1d: {  	s13 =	simm.s32 @!p0 $0x0;
	s17 =	simm.s32 @p3 $0x0;
	s19 =	rddreg [dreg:$0x4]  }
0x1e: {  	p0 =	por $0x0, $0x0;
	s14 =	sadd.s32 $0x1, s13;
	s31 =	rddreg [dreg:$0x3]  }
0x1f: {  	[tilespmem:s22], [sflag:$0x5] =	stream.indirect.gather [hbm4b:s31+s19], $0x80, s16, s19, $0x2000b8;
	[tilespmem:$0x8100] =	vst v63  }
0x20: {  	p3 =	sne.s32 s11, s17;
	s21 =	simm.s32 @!p0 $0x0;
	_ =	swait.ge [sflag:s8], $0x4000  }
0x21: {  	p5 =	por !p4, !p3;
	p4 =	por $0x0, $0x0;
	[sflag:s8] =	ssyncset.done $0x0  }
0x22: {  	s13 =	simm.s32 $0x0;
	p6 =	por p4, p6;
	[sflag:s8] =	ssyncadd.s32 $0xFFFFC000  }
0x23: {  	s16 =	simm.s32 $0x0;
	s19 =	simm.s32 $0x0;
	_ =	strace $0x9000004B  }
.LBB2_2:
0x24: {  	_ =	strace @p6 $0x8000004C;
	s13 =	sadd.s32 s21, s13;
	s21 =	smov.u32 s12  }
0x25: {  	s12 =	smov.u32 s18;
	s18 =	sadd.s32 $0xFFFFFFFF, s18;
	p0 =	por p3, p3  }
0x26: {  	s28 =	sshll.u32 @p6 s23, $0xB;
	s20 =	sadd.s32 @p6 $0x3, s20;
	s24 =	simm.s32 @!p0 $0x0  }
0x27: {  	s25 =	rddreg [dreg:$0x5];
	s28 =	sand.u32 @p6 $0x1FFFF800, s28;
	s24 =	simm.s32 @p0 $0x1  }
0x28: {  	s25 =	sadd.s32 @p6 s25, s28;
	s28 =	simm.s32 @p6 $0x0;
	p0 =	sne.s32 s18, $0x0  }
0x29: {  	[hbm4b:s25+s28] =	stream.linear.scatter @p6 [tilespmem:s22], [sflag:s20], $0x4000, $0x200038;
	[tilespmem:$0x8100] =	vst v63  }
0x2a: {  	s20 =	sadd.s32 @!p1 $0x3, s15;
	s15 =	simm.s32 @!p0 $0x0  }
0x2b: {  	s26 =	simm.s32 $0x1;
	[smem:$0x7FC] =	sst s24;
	s15 =	simm.s32 @p0 $0x1  }
0x2c: {  	s26 =	simm.s32 @!p6 $0x0;
	_ =	strace @p6 $0x9000004C;
	[smem:$0x7FD] =	sst s15  }
0x2d: {  	p5 =	por !p5, !p5;
	s19 =	sadd.s32 s26, s19;
	_ =	strace @!p1 $0x8000004D  }
0x2e: {  	s24 =	sand.u32 @!p2 $0x1, s13;
	s22 =	sand.u32 @p5 $0x1, s14;
	_ =	swait.ge @!p1 [sflag:s20], $0x4000  }
0x2f: {  	s15 =	smov.u32 s24;
	s24 =	sadd.s32 @p5 s4, s17;
	[sflag:s20] =	ssyncset.done @!p1 $0x0  }
0x30: {  	s25 =	sshll.u32 @p5 s22, $0x7;
	s24 =	sshll.u32 @p5 s24, $0x4;
	[sflag:s20] =	ssyncadd.s32 @!p1 $0xFFFFC000  }
0x31: {  	s20 =	sadd.s32 @p5 $0x1, s22;
	s22 =	sand.u32 @p5 $0x1FFFFFF0, s24;
	_ =	strace @!p1 $0x9000004D  }
0x32: {  	s24 =	simm.s32 @p5 $0x0;
	s22 =	sadd.s32 @p5 s3, s22;
	_ =	strace @p5 $0x80000049  }
0x33: {  	[tilespmem:s25], [sflag:s20] =	stream.linear.gather @p5 [hbm4b:s22+s24], $0x80, $0x200038;
	[tilespmem:$0x8100] =	vst v63  }
0x34: {  	s16 =	sadd.s32 s26, s16;
	s26 =	sand.u32 $0x1, s19;
	_ =	strace @p5 $0x90000049  }
0x35: {  	s24 =	sadd.s32 $0x1, s26;
	_ =	strace $0x8000004A  }
0x36: {  	_ =	swait.ge [sflag:s24], $0x80  }
0x37: {  	[sflag:s24] =	ssyncset.done $0x0  }
0x38: {  	s20 =	simm.s32 $0x1;
	[sflag:s24] =	ssyncadd.s32 $0xFFFFFF80  }
0x39: {  	s20 =	simm.s32 @!p5 $0x0;
	_ =	strace $0x9000004A  }
0x3a: {  	s14 =	sadd.s32 s20, s14;
	s20 =	sand.u32 $0x1, s16;
	_ =	strace $0x8000004B  }
0x3b: {  	s29 =	sshll.u32 s19, $0x7;
	s25 =	sshll.u32 s20, $0xE;
	s26 =	rddreg [dreg:$0x4]  }
0x3c: {  	s29 =	sand.u32 $0x80, s29;
	s22 =	sor.u32 $0x100, s25;
	s30 =	rddreg [dreg:$0x3]  }
0x3d: {  	[tilespmem:s22], [sflag:$0x5] =	stream.indirect.gather [hbm4b:s30+s26], $0x80, s29, s26, $0x2000b8;
	[tilespmem:$0x8100] =	vst v63  }
0x3e: {  	_ =	swait.ge [sflag:s8], $0x4000  }
0x3f: {  	s31 =	sadd.s32 $0x1, s17;
	[sflag:s8] =	ssyncset.done $0x0  }
0x40: {  	s23 =	sadd.s32 s4, s11;
	s11 =	smov.u32 s17;
	[sflag:s8] =	ssyncadd.s32 $0xFFFFC000  }
0x41: {  	p3 =	seq.s32 s31, $0x44;
	s17 =	smov.u32 s31;
	_ =	strace $0x9000004B  }
0x42: {  	s17 =	simm.s32 @p3 $0x0;
	s31 =	sld [smem:$0x7FD]  }
0x43: {  	p6 =	sne.s32 s12, $0x1;
	p0 =	sne.s32 s21, $0x44;
	p3 =	sne.s32 s11, s17  }
0x44: {  	p5 =	por !p6, !p3;
	p6 =	seq.s32 s21, $0x1;
	s21 =	simm.s32 $0x1  }
0x45: {  	s21 =	simm.s32 @!p0 $0x0;
	p0 =	seq.s32 s31, $0x1  }
.Ltmp0:
0x46: {  	s30 =	sld [smem:$0x7FC];
	(pc) =	sbr.rel @p0 .LBB2_2-.Ltmp0, $4  }
0x47: {  	_ = 	snop  }
0x48: {  	p4 =	seq.s32 s12, $0x44  }
0x49: {  	p1 =	por p2, p2;
	p2 =	por p4, p4;
	p4 =	seq.s32 s30, $0x1  }
0x4a: {  	p6 =	por p6, p4  }
0x4b: {  	_ =	strace @p6 $0x8000004C;
	s23 =	sshll.u32 @p6 s23, $0xB  }
0x4c: {  	s18 =	rddreg [dreg:$0x5];
	s23 =	sand.u32 @p6 $0x1FFFF800, s23  }
0x4d: {  	s20 =	sadd.s32 @p6 $0x3, s20;
	s18 =	sadd.s32 @p6 s18, s23;
	s23 =	simm.s32 @p6 $0x0  }
0x4e: {  	[hbm4b:s18+s23] =	stream.linear.scatter @p6 [tilespmem:s22], [sflag:s20], $0x4000, $0x200038;
	[tilespmem:$0x8100] =	vst v63  }
0x4f: {  	p0 =	por !p5, !p5;
	_ =	strace @p6 $0x9000004C  }
0x50: {  	s15 =	sadd.s32 @!p1 $0x3, s15;
	s17 =	sadd.s32 @p0 s4, s17;
	_ =	strace @!p1 $0x8000004D  }
0x51: {  	s14 =	sand.u32 @p0 $0x1, s14;
	s17 =	sshll.u32 @p0 s17, $0x4;
	_ =	swait.ge @!p1 [sflag:s15], $0x4000  }
0x52: {  	s18 =	simm.s32 $0x1;
	s20 =	sshll.u32 @p0 s14, $0x7;
	[sflag:s15] =	ssyncset.done @!p1 $0x0  }
0x53: {  	s14 =	sadd.s32 @p0 $0x1, s14;
	s18 =	simm.s32 @!p6 $0x0;
	[sflag:s15] =	ssyncadd.s32 @!p1 $0xFFFFC000  }
0x54: {  	s19 =	sadd.s32 s18, s19;
	s15 =	sand.u32 @p0 $0x1FFFFFF0, s17;
	_ =	strace @!p1 $0x9000004D  }
0x55: {  	s17 =	simm.s32 @p0 $0x0;
	s15 =	sadd.s32 @p0 s3, s15;
	_ =	strace @p0 $0x80000049  }
0x56: {  	[tilespmem:s20], [sflag:s14] =	stream.linear.gather @p0 [hbm4b:s15+s17], $0x80, $0x200038;
	[tilespmem:$0x8100] =	vst v63  }
0x57: {  	s25 =	sand.u32 $0x1, s19;
	_ =	strace @p0 $0x90000049  }
0x58: {  	s14 =	sadd.s32 $0x1, s25;
	_ =	strace $0x8000004A  }
0x59: {  	_ =	swait.ge [sflag:s14], $0x80  }
0x5a: {  	[sflag:s14] =	ssyncset.done $0x0  }
0x5b: {  	[sflag:s14] =	ssyncadd.s32 $0xFFFFFF80  }
0x5c: {  	s26 =	sadd.s32 s18, s16;
	_ =	strace $0x9000004A  }
0x5d: {  	s14 =	sand.u32 $0x1, s26;
	_ =	strace $0x8000004B  }
0x5e: {  	s30 =	sshll.u32 s19, $0x7;
	s31 =	sshll.u32 s14, $0xE;
	s28 =	rddreg [dreg:$0x4]  }
0x5f: {  	s17 =	sand.u32 $0x80, s30;
	s18 =	sor.u32 $0x100, s31;
	s29 =	rddreg [dreg:$0x3]  }
0x60: {  	[tilespmem:s18], [sflag:$0x5] =	stream.indirect.gather [hbm4b:s29+s28], $0x80, s17, s28, $0x2000b8;
	[tilespmem:$0x8100] =	vst v63  }
0x61: {  	_ =	swait.ge [sflag:s8], $0x4000  }
0x62: {  	[sflag:s8] =	ssyncset.done $0x0  }
0x63: {  	p5 =	por p3, p3;
	p6 =	seq.s32 s12, $0x1;
	[sflag:s8] =	ssyncadd.s32 $0xFFFFC000  }
0x64: {  	s11 =	sadd.s32 s4, s11;
	p0 =	por p6, p5;
	_ =	strace $0x9000004B  }
0x65: {  	s11 =	sshll.u32 @p0 s11, $0xB;
	_ =	strace @p0 $0x8000004C  }
0x66: {  	s13 =	sadd.s32 s21, s13;
	s11 =	sand.u32 @p0 $0x1FFFF800, s11;
	s12 =	rddreg [dreg:$0x5]  }
0x67: {  	s14 =	sadd.s32 @p0 $0x3, s14;
	s11 =	sadd.s32 @p0 s12, s11;
	s12 =	simm.s32 @p0 $0x0  }
0x68: {  	[hbm4b:s11+s12] =	stream.linear.scatter @p0 [tilespmem:s18], [sflag:s14], $0x4000, $0x200038;
	[tilespmem:$0x8100] =	vst v63  }
0x69: {  	p1 =	por p2, p2;
	s11 =	sand.u32 @!p2 $0x1, s13;
	_ =	strace @p0 $0x9000004C  }
0x6a: {  	s11 =	sadd.s32 @!p1 $0x3, s11;
	_ =	strace @!p1 $0x8000004D  }
0x6b: {  	_ =	swait.ge @!p1 [sflag:s11], $0x4000  }
0x6c: {  	[sflag:s11] =	ssyncset.done @!p1 $0x0  }
0x6d: {  	s10 =	sadd.s32 $0x1, s10;
	[sflag:s11] =	ssyncadd.s32 @!p1 $0xFFFFC000  }
0x6e: {  	p0 =	sne.s32 s10, s6;
	_ =	strace @!p1 $0x9000004D  }
.Ltmp1:
0x6f: {  	_ =	strace $0x8000004E;
	(pc) =	sbr.rel @p0 .LBB2_1-.Ltmp1, $4  }
0x70: {  	_ =	swait.ge [sflag:s9], $0x4000  }
0x71: {  	[sflag:s9] =	ssyncset.done $0x0  }
0x72: {  	[sflag:s9] =	ssyncadd.s32 $0xFFFFC000  }
0x73: {  	_ =	strace $0x9000004E  }
0x74: {  	_ =	sfence.sel $0x180000  }
0x75: {  	[bflag:$0x0] =	sbarrier.arrive $0xFFFF  }
0x76: {  	p0 =	sne.s32 s1, $0x0;
	_ =	strace $0x90000047  }
0x77: {  	s0 =	sadd.s32 @!p0 $0x100000, s0;
	[bflag:$0x2] =	sbarrier.arrive $0xFFFF  }
0x78: {  	[sflag:s0] =	ssyncadd.tile.s32 @!p0 $0x1;
	_ =	shalt  }
.Lfunc_end2:
_tile_overlayer_lowered:
.L_overlay_start_2:
0x79: {  	(tag) =	ssettag $0x2  }
0x7a: {  	s0 =	rddreg [dreg:$0x0];
	s2 =	stileid.u32  }
0x7b: {  	s1 =	rddreg [dreg:$0x1];
	p0 =	sne.s32 s2, $0x0  }
0x7c: {  	s3 =	rddreg [dreg:$0x2];
	[bflag:$0x3] =	sbarrier.arrive $0xFFFF;
	s2 =	simm.s32 @!p0 $0x1C01  }
0x7d: {  	[timem:s3], [sflag:s2] =	dma.local @!p0 [hbm:s0], s1  }
0x7e: {  	s0 =	simm.s32 @!p0 $0x1  }
0x7f: {  	_ =	swait.ge @!p0 [sflag:s0], s1  }
0x80: {  	s1 =	ssub.s32 @!p0 $0x0, s1;
	[sflag:s0] =	ssyncset.done @!p0 $0x0  }
0x81: {  	[sflag:s0] =	ssyncadd.s32 @!p0 s1  }
0x82: {  	[bflag:$0x3] =	sbarrier.arrive $0xFFFF  }
0x83: {  	_ =	shalt  }

// kernel: kernel.16.cloned.1.call-start
scs
__scs_entry_jumppad:
0x0: {  	(pc) =	sbr.rel $0x88, $3  }
0x1: {  	(tag) =	ssettag $0x0;
	lr =	simm.s32 $0x1  }
0x2: {  	[smem:$0x3F97] =	sst lr;
	_ =	strace $0xD0000000  }
0x3: {  	_ = 	snop  }
0x4: {  	_ = 	snop  }
0x5: {  	_ = 	snop  }
0x6: {  	_ = 	snop  }
0x7: {  	_ = 	snop  }
__scs_overlays_trampoline_lowered:
0x8: {  	[smem:$0x3FA6] =	sst s0  }
0x9: {  	[smem:$0x3FA7] =	sst s1  }
0xa: {  	[smem:$0x3FA8] =	sst s2  }
0xb: {  	[smem:$0x3FA9] =	sst s3  }
0xc: {  	[smem:$0x3FAA] =	sst s4  }
0xd: {  	[smem:$0x3FAB] =	sst s5  }
0xe: {  	[smem:$0x3FAC] =	sst s6  }
0xf: {  	[smem:$0x3FAD] =	sst s7  }
0x10: {  	[smem:$0x3FAE] =	sst s8  }
0x11: {  	[smem:$0x3FAF] =	sst s9;
	s0 =	simm.s32 @!p0 $0x0  }
0x12: {  	s1 =	sld [smem:$0x3F95];
	s0 =	simm.s32 @p0 $0x1  }
0x13: {  	[smem:$0x3FB0] =	sst s0;
	s0 =	simm.s32 @!p1 $0x0  }
0x14: {  	s2 =	sld [smem:$0x3F94];
	s0 =	simm.s32 @p1 $0x1  }
0x15: {  	[smem:$0x3FB1] =	sst s0;
	s0 =	simm.s32 @!p2 $0x0  }
0x16: {  	s3 =	sld [smem:$0x3FDB];
	s0 =	simm.s32 @p2 $0x1  }
0x17: {  	s4 =	simm.s32 $0x1BF5;
	[smem:$0x3FB3] =	sst s0  }
0x18: {  	s0 =	sld [smem:$0x3F96];
	_ =	swait.ge [sflag:s4], $0x0  }
0x19: {  	s7 =	sld [smem:$0x3F97]  }
0x1a: {  	s8 =	sadd.s32 $0xFFFFE003, lr  }
0x1b: {  	s9 =	sadd.s32 $0xFFFFFEF7, lr;
	s5 =	simm.s32 $0xFFFFFFFF;
	p2 =	slt.u32 s8, $0xFFFFF086  }
0x1c: {  	p1 =	slt.u32 s9, $0xF7A;
	s5 =	simm.s32 @!p2 $0x0  }
0x1d: {  	s5 =	simm.s32 @p1 $0x1;
	p0 =	seq.s32 s7, s2  }
0x1e: {  	s7 =	smul.u32 @!p0 $0xF7A, s2;
	p2 =	seq.s32 @!p0 s5, $0x0  }
0x1f: {  	s9 =	smul.u32 $0xF7A, s1;
	s8 =	simm.s32 @!p0 $0x1BF5;
	p2 =	por !p2, p0  }
0x20: {  	[sflag:s8] =	ssyncset.s32 @!p0 $0xFFFFF086;
	s6 =	sadd.s32 @!p0 s3, s7;
	s7 =	simm.s32 @!p0 $0x108  }
0x21: {  	s3 =	sadd.s32 s3, s9;
	s6 =	sadd.s32 @!p0 $0x88, s6;
	s7 =	simm.s32 @p2 $0x1082  }
0x22: {  	[simem:s7], [sflag:s8] =	dma.local @!p0 [hbm:s6], $0xF7A  }
0x23: {  	s9 =	sor.u32 $0xD0000000, s2;
	s6 =	simm.s32 $0x108;
	_ =	swait.ge @!p0 [sflag:s8], $0x0  }
0x24: {  	s3 =	sadd.s32 $0x88, s3;
	s6 =	simm.s32 @!p1 $0x1082;
	[sflag:s4] =	ssyncset.s32 $0xFFFFF086  }
0x25: {  	[simem:s6], [sflag:s4] =	dma.local [hbm:s3], $0xF7A  }
0x26: {  	[smem:$0x3F97] =	sst s1;
	(tag) =	ssettag s2;
	_ =	strace s9  }
0x27: {  	s1 =	sld [smem:$0x3FA7]  }
0x28: {  	s2 =	sld [smem:$0x3FA8]  }
0x29: {  	s4 =	sld [smem:$0x3FAA]  }
0x2a: {  	p0 =	seq.s32 s5, $0x0;
	s5 =	sld [smem:$0x3FAB]  }
0x2b: {  	s6 =	sld [smem:$0x3FAC]  }
0x2c: {  	s7 =	sld [smem:$0x3FAD]  }
0x2d: {  	s3 =	simm.s32 $0x108;
	s8 =	sld [smem:$0x3FAE]  }
0x2e: {  	s3 =	simm.s32 @!p0 $0x1082;
	s9 =	sld [smem:$0x3FAF]  }
0x2f: {  	lr =	sadd.s32 s0, s3;
	s0 =	sld [smem:$0x3FA6]  }
0x30: {  	s3 =	sld [smem:$0x3FA9]  }
0x31: {  	[smem:$0x3FB2] =	sst s10  }
0x32: {  	s10 =	sld [smem:$0x3FB0];
	_ =	sdelay $0x3  }
0x33: {  	p0 =	seq.s32 s10, $0x1;
	s10 =	sld [smem:$0x3FB2];
	_ =	sdelay $0x3  }
0x34: {  	[smem:$0x3FB2] =	sst s10  }
0x35: {  	s10 =	sld [smem:$0x3FB1];
	_ =	sdelay $0x3  }
0x36: {  	p1 =	seq.s32 s10, $0x1;
	s10 =	sld [smem:$0x3FB2];
	_ =	sdelay $0x3  }
0x37: {  	[smem:$0x3FB2] =	sst s10  }
0x38: {  	s10 =	sld [smem:$0x3FB3]  }
0x39: {  	_ = 	snop;
	(pc) =	sbr.ind lr, $3  }
0x3a: {  	_ = 	snop  }
0x3b: {  	_ = 	snop  }
0x3c: {  	p2 =	seq.s32 s10, $0x1;
	s10 =	sld [smem:$0x3FB2]  }
0x3d: {  	_ =	shalt  }
0x3e: {  	_ =	shalt  }
0x3f: {  	_ =	shalt  }
0x40: {  	_ =	shalt  }
0x41: {  	_ =	shalt  }
0x42: {  	_ =	shalt  }
0x43: {  	_ =	shalt  }
0x44: {  	_ =	shalt  }
0x45: {  	_ =	shalt  }
0x46: {  	_ =	shalt  }
0x47: {  	_ =	shalt  }
0x48: {  	_ =	shalt  }
0x49: {  	_ =	shalt  }
0x4a: {  	_ =	shalt  }
0x4b: {  	_ =	shalt  }
0x4c: {  	_ =	shalt  }
0x4d: {  	_ =	shalt  }
0x4e: {  	_ =	shalt  }
0x4f: {  	_ =	shalt  }
0x50: {  	_ =	shalt  }
0x51: {  	_ =	shalt  }
0x52: {  	_ =	shalt  }
0x53: {  	_ =	shalt  }
0x54: {  	_ =	shalt  }
0x55: {  	_ =	shalt  }
0x56: {  	_ =	shalt  }
0x57: {  	_ =	shalt  }
0x58: {  	_ =	shalt  }
0x59: {  	_ =	shalt  }
0x5a: {  	_ =	shalt  }
0x5b: {  	_ =	shalt  }
0x5c: {  	_ =	shalt  }
0x5d: {  	_ =	shalt  }
0x5e: {  	_ =	shalt  }
0x5f: {  	_ =	shalt  }
0x60: {  	_ =	shalt  }
0x61: {  	_ =	shalt  }
0x62: {  	_ =	shalt  }
0x63: {  	_ =	shalt  }
0x64: {  	_ =	shalt  }
0x65: {  	_ =	shalt  }
0x66: {  	_ =	shalt  }
0x67: {  	_ =	shalt  }
0x68: {  	_ =	shalt  }
0x69: {  	_ =	shalt  }
0x6a: {  	_ =	shalt  }
0x6b: {  	_ =	shalt  }
0x6c: {  	_ =	shalt  }
0x6d: {  	_ =	shalt  }
0x6e: {  	_ =	shalt  }
0x6f: {  	_ =	shalt  }
0x70: {  	_ =	shalt  }
0x71: {  	_ =	shalt  }
0x72: {  	_ =	shalt  }
0x73: {  	_ =	shalt  }
0x74: {  	_ =	shalt  }
0x75: {  	_ =	shalt  }
0x76: {  	_ =	shalt  }
0x77: {  	_ =	shalt  }
0x78: {  	_ =	shalt  }
0x79: {  	_ =	shalt  }
0x7a: {  	_ =	shalt  }
0x7b: {  	_ =	shalt  }
0x7c: {  	_ =	shalt  }
0x7d: {  	_ =	shalt  }
0x7e: {  	_ =	shalt  }
0x7f: {  	_ =	shalt  }
0x80: {  	_ =	shalt  }
0x81: {  	_ =	shalt  }
0x82: {  	_ =	shalt  }
0x83: {  	_ =	shalt  }
0x84: {  	_ =	shalt  }
0x85: {  	_ =	shalt  }
0x86: {  	_ =	shalt  }
0x87: {  	_ =	shalt  }
.Lfunc_end0:
.L_simem_size_0:
called_computation.2_lowered:
.L_overlay_start_0:
0x88: {  	s2 =	sld [smem:$0x3FD9]  }
0x89: {  	s3 =	sld [smem:$0x3FFE];
	_ =	sdelay $0x1  }
0x8a: {  	s1 =	srdreg.scid  }
0x8b: {  	s0 =	sand.u32 $0x1, s1  }
0x8c: {  	s17 =	sshll.u32 s0, $0xA;
	s2 =	sadd.s32 s3, s2  }
0x8d: {  	s2 =	sadd.s32 s2, s17  }
0x8e: {  	[smem:$0x3FBE] =	sst s2  }
0x8f: {  	_ = 	snop  }
0x90: {  	s18 =	sld [smem:$0x3FC7];
	(tm) =	ssettm $0x1  }
0x91: {  	s19 =	sld [smem:$0x3FFB];
	_ =	sdelay $0x3  }
0x92: {  	_ =	strace s19  }
0x93: {  	s2 =	sld [smem:$0x3FFC];
	_ =	sdelay $0x3  }
0x94: {  	_ =	strace s2  }
0x95: {  	s2 =	sld [smem:$0x3FFD];
	_ =	sdelay $0x3  }
0x96: {  	_ =	strace s2  }
0x97: {  	_ =	strace $0x8FFFFFFF  }
0x98: {  	s20 =	sld [smem:$0x3FDB];
	_ =	sdelay $0x1  }
0x99: {  	s4 =	simm.s32 $_scs_section_size  }
0x9a: {  	s5 =	simm.s32 $_size__tile_overlayer_lowered;
	s6 =	simm.s32 $_tile_overlayer_lowered  }
0x9b: {  	s7 =	simm.s32 $0x1BFF;
	s21 =	sshll.u32 s6, $0x1;
	s4 =	sadd.s32 s4, s20  }
0x9c: {  	s22 =	simm.s32 $0x0;
	s5 =	sshll.u32 s5, $0x1;
	s6 =	sadd.s32 s21, s4  }
0x9d: {  	[timem:s22], [sflag:s7] =	dma.local [hbm:s6], s5  }
0x9e: {  	_ =	swait.ge [sflag:s7], s5  }
0x9f: {  	s5 =	ssub.s32 $0x0, s5;
	[sflag:s7] =	ssyncset.done $0x0  }
0xa0: {  	[sflag:s7] =	ssyncadd.s32 s5;
	_ =	sdelay $0x1  }
0xa1: {  	s23 =	simm.s32 $0x1B8B  }
0xa2: {  	_ =	swait.ge [sflag:s23], $0x1  }
0xa3: {  	[sflag:s23] =	ssyncset.done $0x0  }
0xa4: {  	[sflag:s23] =	ssyncadd.s32 $0xFFFFFFFF  }
0xa5: {  	s5 =	sld [smem:$0x0]  }
0xa6: {  	s6 =	sand.u32 $0xFFFFFFFE, s1  }
0xa7: {  	p0 =	sne.s32 s1, s6  }
0xa8: {  	s6 =	sshll.u32 @p0 s6, $0xE  }
0xa9: {  	s6 =	sadd.s32 @p0 $0x11B8D, s6;
	s7 =	sshll.u32 @p0 s5, $0x11  }
0xaa: {  	s6 =	sor.u32 @p0 s7, s6  }
0xab: {  	[sflag:s6] =	ssyncadd.remote.s32 @p0 $0x1;
	_ =	sdelay $0x1  }
0xac: {  	s6 =	simm.s32 @p0 $0x1B8D  }
0xad: {  	_ =	swait.eq @p0 [sflag:s6], $0x1  }
0xae: {  	[sflag:s6] =	ssyncadd.s32 @p0 $0xFFFFFFFF  }
0xaf: {  	s7 =	sshll.u32 @!p0 s1, $0xE  }
0xb0: {  	s7 =	sor.u32 @!p0 $0x4000, s7;
	s6 =	simm.s32 @!p0 $0x1B8D  }
0xb1: {  	s5 =	sshll.u32 @!p0 s5, $0x11;
	s7 =	sadd.s32 @!p0 $0x11B8D, s7;
	_ =	swait.eq @!p0 [sflag:s6], $0x1  }
0xb2: {  	s5 =	sor.u32 @!p0 s5, s7;
	[sflag:s6] =	ssyncadd.s32 @!p0 $0xFFFFFFFF  }
0xb3: {  	s25 =	simm.s32 $0x1B8E;
	s24 =	sld [smem:$0x3FFE];
	[sflag:s5] =	ssyncadd.remote.s32 @!p0 $0x1  }
0xb4: {  	s26 =	simm.s32 $execute0_lowered;
	[smem:$0x3FD2] =	sst s25  }
0xb5: {  	s6 =	sshll.u32 s26, $0x1;
	_ =	strace $0x8000005A;
	[dreg:$0x1] =	wrdreg $0xFFFFFFFF  }
0xb6: {  	s28 =	simm.s32 $_size_execute0_lowered;
	s4 =	sadd.s32 s4, s6;
	[dreg:$0x0] =	wrdreg $0x0  }
0xb7: {  	s6 =	sshll.u32 s28, $0x1;
	[dreg:$0x2] =	wrdreg s4  }
0xb8: {  	[dreg:$0x3] =	wrdreg s6  }
0xb9: {  	[dreg:$0x4] =	wrdreg $0xC0  }
0xba: {  	_ =	task [dreg:s22], $0x5FFFF  }
0xbb: {  	[dreg:$0x1] =	wrdreg $0xFFFFFFFF  }
0xbc: {  	[dreg:$0x0] =	wrdreg $0x60  }
0xbd: {  	[dreg:$0x2] =	wrdreg s18  }
0xbe: {  	[dreg:$0x3] =	wrdreg s24  }
0xbf: {  	[dreg:$0x4] =	wrdreg $0xB  }
0xc0: {  	_ =	task.clear_ibuf [dreg:s22], $0x5FFFF;
	_ =	strace $0x9000005A  }
0xc1: {  	s29 =	simm.s32 $0xB;
	_ =	strace $0x8000005C  }
0xc2: {  	_ =	swait.ge [sflag:s29], $0x1  }
0xc3: {  	[sflag:s29] =	ssyncadd.s32 $0xFFFFFFFF  }
0xc4: {  	_ =	strace $0x9000005C  }
0xc5: {  	_ =	sfence  }
0xc6: {  	s30 =	sld [smem:$0x0];
	_ =	sdelay $0x2  }
0xc7: {  	s31 =	sshll.u32 s1, $0xD;
	s1 =	sshrl.u32 s1, $0x2  }
0xc8: {  	s4 =	sand.u32 $0x4000, s31;
	s1 =	sadd.s32 s1, s30  }
0xc9: {  	s0 =	sor.u32 s4, s0;
	s1 =	sshll.u32 s1, $0x11  }
0xca: {  	s0 =	sor.u32 s1, s0  }
0xcb: {  	s0 =	sadd.s32 $0x8F2B, s0  }
0xcc: {  	[sflag:s0] =	ssyncadd.remote.s32 $0x1  }
0xcd: {  	_ =	sfence.sel $0xFFFF  }
0xce: {  	[dreg:$0x0] =	wrdreg $0xFFFFFFFF;
	(pc) =	sbr.abs _section_cstart, $3  }
0xcf: {  	[dreg:$0x1] =	wrdreg $0xFFFFFFFF  }
0xd0: {  	_ =	task.clear_ibuf [dreg:s22], $0x2FFFF;
	_ =	strace $0x9FFFFFFF  }
0xd1: {  	(tm) =	ssettm $0x7FFFFFFF  }
tec
execute0_lowered:
.L_overlay_start_1:
0x0: {  	(tag) =	ssettag $0x1  }
0x1: {  	s0 =	srdreg.scid  }
0x2: {  	s4 =	sand.u32 $0x1, s0;
	s0 =	stileid.u32  }
0x3: {  	s5 =	sshll.u32 s0, $0x1;
	s6 =	ssub.s32 $0x0, s4  }
0x4: {  	p0 =	sne.s32 s5, s6  }
.Ltmp0:
0x5: {  	_ = 	snop;
	(pc) =	sbr.rel @p0 .LBB2_5-.Ltmp0, $4  }
0x6: {  	_ = 	snop  }
0x7: {  	s2 =	rddreg [dreg:$0x0]  }
0x8: {  	s3 =	rddreg [dreg:$0x1]  }
0x9: {  	s1 =	rddreg [dreg:$0x2];
	_ =	strace $0x8000005B  }
0xa: {  	s4 =	ssub.s32 $0x2, s4  }
0xb: {  	s3 =	sadd.s32 $0x897800, s3;
	s5 =	sshrl.u32 s4, $0x1  }
0xc: {  	s6 =	simm.s32 $0x1;
	s7 =	simm.s32 $0x400;
	s4 =	ssub.s32 s4, s5  }
0xd: {  	v0 =	vlaneseq.u32;
	s8 =	simm.s32 $0x0;
	s5 =	simm.s32 $0x0;
	s4 =	smax.u32 s4, $0x1  }
.LBB2_2:
0xe: {  	[tilespmem:s5], [sflag:$0x1] =	stream.linear.gather [hbm4b:s2+s5], $0x400, $0x38;
	[tilespmem:$0x18B00] =	vst v63  }
0xf: {  	_ =	swait.ge [sflag:s6], $0x400  }
0x10: {  	[sflag:s6] =	ssyncset.done $0x0  }
0x11: {  	[sflag:s6] =	ssyncadd.s32 $0xFFFFFC00  }
0x12: {  	s9 =	simm.s32 $0x10;
	s10 =	simm.s32 $0x0;
	s11 =	simm.s32 $0x0;
	v1 =	vld [tilespmem:s5+$0x0]  }
.LBB2_3:
0x13: {  	p0 =	sne.s32 s9, $0x3F0;
	_ =	sdelay $0x3  }
.Ltmp1:
0x14: {  	(pc) =	sbr.rel @p0 .LBB2_3-.Ltmp1, $4  }
0x15: {  	_ = 	snop  }
0x16: {  	v2 =	vor.u32 s10, v0;
	s10 =	smov.u32 s9  }
0x17: {  	s11 =	sadd.s32 $0x10, s11;
	[tilespmem:v1+s7+$0x0] =	vst.idx.msk $0xffff, v2  }
0x18: {  	s9 =	sadd.s32 $0x10, s9;
	v1 =	vld [tilespmem:s11+$0x0]  }
0x19: {  	_ =	sdelay $0x5  }
0x1a: {  	s8 =	sadd.s32 $0x1, s8  }
0x1b: {  	v2 =	vor.u32 s10, v0;
	p0 =	sne.s32 s8, s4  }
.Ltmp2:
0x1c: {  	[tilespmem:v1+s7+$0x0] =	vst.idx.msk $0xffff, v2;
	(pc) =	sbr.rel @p0 .LBB2_2-.Ltmp2, $4  }
0x1d: {  	[hbm4b:s3+s5] =	stream.linear.scatter [tilespmem:s7], [sflag:$0x1], $0x18700, $0x38;
	[tilespmem:$0x18B00] =	vst v63  }
0x1e: {  	_ =	swait.ge [sflag:s6], $0x18700  }
0x1f: {  	[sflag:s6] =	ssyncset.done $0x0  }
0x20: {  	[sflag:s6] =	ssyncadd.s32 $0xFFFE7900  }
.LBB2_5:
0x21: {  	_ =	sfence.sel $0x180000  }
0x22: {  	[bflag:$0x0] =	sbarrier.arrive $0xFFFF  }
0x23: {  	p0 =	sne.s32 s0, $0x0;
	_ =	strace $0x9000005B  }
0x24: {  	s0 =	sadd.s32 @!p0 $0x100000, s1;
	[bflag:$0x2] =	sbarrier.arrive $0xFFFF  }
0x25: {  	[sflag:s0] =	ssyncadd.tile.s32 @!p0 $0x1;
	_ =	shalt  }
.Lfunc_end2:
_tile_overlayer_lowered:
.L_overlay_start_2:
0x26: {  	(tag) =	ssettag $0x2  }
0x27: {  	s0 =	rddreg [dreg:$0x0];
	s2 =	stileid.u32  }
0x28: {  	s1 =	rddreg [dreg:$0x1];
	p0 =	sne.s32 s2, $0x0  }
0x29: {  	s3 =	rddreg [dreg:$0x2];
	[bflag:$0x3] =	sbarrier.arrive $0xFFFF;
	s2 =	simm.s32 @!p0 $0x1C01  }
0x2a: {  	[timem:s3], [sflag:s2] =	dma.local @!p0 [hbm:s0], s1  }
0x2b: {  	s0 =	simm.s32 @!p0 $0x1  }
0x2c: {  	_ =	swait.ge @!p0 [sflag:s0], s1  }
0x2d: {  	s1 =	ssub.s32 @!p0 $0x0, s1;
	[sflag:s0] =	ssyncset.done @!p0 $0x0  }
0x2e: {  	[sflag:s0] =	ssyncadd.s32 @!p0 s1  }
0x2f: {  	[bflag:$0x3] =	sbarrier.arrive $0xFFFF  }
0x30: {  	_ =	shalt  }

// kernel: kernel.19.cloned.1.call-start
scs
__scs_entry_jumppad:
0x0: {  	(pc) =	sbr.rel $0x88, $3  }
0x1: {  	(tag) =	ssettag $0x0;
	lr =	simm.s32 $0x1  }
0x2: {  	[smem:$0x3F97] =	sst lr;
	_ =	strace $0xD0000000  }
0x3: {  	_ = 	snop  }
0x4: {  	_ = 	snop  }
0x5: {  	_ = 	snop  }
0x6: {  	_ = 	snop  }
0x7: {  	_ = 	snop  }
__scs_overlays_trampoline_lowered:
0x8: {  	[smem:$0x3FA6] =	sst s0  }
0x9: {  	[smem:$0x3FA7] =	sst s1  }
0xa: {  	[smem:$0x3FA8] =	sst s2  }
0xb: {  	[smem:$0x3FA9] =	sst s3  }
0xc: {  	[smem:$0x3FAA] =	sst s4  }
0xd: {  	[smem:$0x3FAB] =	sst s5  }
0xe: {  	[smem:$0x3FAC] =	sst s6  }
0xf: {  	[smem:$0x3FAD] =	sst s7  }
0x10: {  	[smem:$0x3FAE] =	sst s8  }
0x11: {  	[smem:$0x3FAF] =	sst s9;
	s0 =	simm.s32 @!p0 $0x0  }
0x12: {  	s1 =	sld [smem:$0x3F95];
	s0 =	simm.s32 @p0 $0x1  }
0x13: {  	[smem:$0x3FB0] =	sst s0;
	s0 =	simm.s32 @!p1 $0x0  }
0x14: {  	s2 =	sld [smem:$0x3F94];
	s0 =	simm.s32 @p1 $0x1  }
0x15: {  	[smem:$0x3FB1] =	sst s0;
	s0 =	simm.s32 @!p2 $0x0  }
0x16: {  	s3 =	sld [smem:$0x3FDB];
	s0 =	simm.s32 @p2 $0x1  }
0x17: {  	s4 =	simm.s32 $0x1BF5;
	[smem:$0x3FB3] =	sst s0  }
0x18: {  	s0 =	sld [smem:$0x3F96];
	_ =	swait.ge [sflag:s4], $0x0  }
0x19: {  	s7 =	sld [smem:$0x3F97]  }
0x1a: {  	s8 =	sadd.s32 $0xFFFFE003, lr  }
0x1b: {  	s9 =	sadd.s32 $0xFFFFFEF7, lr;
	s5 =	simm.s32 $0xFFFFFFFF;
	p2 =	slt.u32 s8, $0xFFFFF086  }
0x1c: {  	p1 =	slt.u32 s9, $0xF7A;
	s5 =	simm.s32 @!p2 $0x0  }
0x1d: {  	s5 =	simm.s32 @p1 $0x1;
	p0 =	seq.s32 s7, s2  }
0x1e: {  	s7 =	smul.u32 @!p0 $0xF7A, s2;
	p2 =	seq.s32 @!p0 s5, $0x0  }
0x1f: {  	s9 =	smul.u32 $0xF7A, s1;
	s8 =	simm.s32 @!p0 $0x1BF5;
	p2 =	por !p2, p0  }
0x20: {  	[sflag:s8] =	ssyncset.s32 @!p0 $0xFFFFF086;
	s6 =	sadd.s32 @!p0 s3, s7;
	s7 =	simm.s32 @!p0 $0x108  }
0x21: {  	s3 =	sadd.s32 s3, s9;
	s6 =	sadd.s32 @!p0 $0x88, s6;
	s7 =	simm.s32 @p2 $0x1082  }
0x22: {  	[simem:s7], [sflag:s8] =	dma.local @!p0 [hbm:s6], $0xF7A  }
0x23: {  	s9 =	sor.u32 $0xD0000000, s2;
	s6 =	simm.s32 $0x108;
	_ =	swait.ge @!p0 [sflag:s8], $0x0  }
0x24: {  	s3 =	sadd.s32 $0x88, s3;
	s6 =	simm.s32 @!p1 $0x1082;
	[sflag:s4] =	ssyncset.s32 $0xFFFFF086  }
0x25: {  	[simem:s6], [sflag:s4] =	dma.local [hbm:s3], $0xF7A  }
0x26: {  	[smem:$0x3F97] =	sst s1;
	(tag) =	ssettag s2;
	_ =	strace s9  }
0x27: {  	s1 =	sld [smem:$0x3FA7]  }
0x28: {  	s2 =	sld [smem:$0x3FA8]  }
0x29: {  	s4 =	sld [smem:$0x3FAA]  }
0x2a: {  	p0 =	seq.s32 s5, $0x0;
	s5 =	sld [smem:$0x3FAB]  }
0x2b: {  	s6 =	sld [smem:$0x3FAC]  }
0x2c: {  	s7 =	sld [smem:$0x3FAD]  }
0x2d: {  	s3 =	simm.s32 $0x108;
	s8 =	sld [smem:$0x3FAE]  }
0x2e: {  	s3 =	simm.s32 @!p0 $0x1082;
	s9 =	sld [smem:$0x3FAF]  }
0x2f: {  	lr =	sadd.s32 s0, s3;
	s0 =	sld [smem:$0x3FA6]  }
0x30: {  	s3 =	sld [smem:$0x3FA9]  }
0x31: {  	[smem:$0x3FB2] =	sst s10  }
0x32: {  	s10 =	sld [smem:$0x3FB0];
	_ =	sdelay $0x3  }
0x33: {  	p0 =	seq.s32 s10, $0x1;
	s10 =	sld [smem:$0x3FB2];
	_ =	sdelay $0x3  }
0x34: {  	[smem:$0x3FB2] =	sst s10  }
0x35: {  	s10 =	sld [smem:$0x3FB1];
	_ =	sdelay $0x3  }
0x36: {  	p1 =	seq.s32 s10, $0x1;
	s10 =	sld [smem:$0x3FB2];
	_ =	sdelay $0x3  }
0x37: {  	[smem:$0x3FB2] =	sst s10  }
0x38: {  	s10 =	sld [smem:$0x3FB3]  }
0x39: {  	_ = 	snop;
	(pc) =	sbr.ind lr, $3  }
0x3a: {  	_ = 	snop  }
0x3b: {  	_ = 	snop  }
0x3c: {  	p2 =	seq.s32 s10, $0x1;
	s10 =	sld [smem:$0x3FB2]  }
0x3d: {  	_ =	shalt  }
0x3e: {  	_ =	shalt  }
0x3f: {  	_ =	shalt  }
0x40: {  	_ =	shalt  }
0x41: {  	_ =	shalt  }
0x42: {  	_ =	shalt  }
0x43: {  	_ =	shalt  }
0x44: {  	_ =	shalt  }
0x45: {  	_ =	shalt  }
0x46: {  	_ =	shalt  }
0x47: {  	_ =	shalt  }
0x48: {  	_ =	shalt  }
0x49: {  	_ =	shalt  }
0x4a: {  	_ =	shalt  }
0x4b: {  	_ =	shalt  }
0x4c: {  	_ =	shalt  }
0x4d: {  	_ =	shalt  }
0x4e: {  	_ =	shalt  }
0x4f: {  	_ =	shalt  }
0x50: {  	_ =	shalt  }
0x51: {  	_ =	shalt  }
0x52: {  	_ =	shalt  }
0x53: {  	_ =	shalt  }
0x54: {  	_ =	shalt  }
0x55: {  	_ =	shalt  }
0x56: {  	_ =	shalt  }
0x57: {  	_ =	shalt  }
0x58: {  	_ =	shalt  }
0x59: {  	_ =	shalt  }
0x5a: {  	_ =	shalt  }
0x5b: {  	_ =	shalt  }
0x5c: {  	_ =	shalt  }
0x5d: {  	_ =	shalt  }
0x5e: {  	_ =	shalt  }
0x5f: {  	_ =	shalt  }
0x60: {  	_ =	shalt  }
0x61: {  	_ =	shalt  }
0x62: {  	_ =	shalt  }
0x63: {  	_ =	shalt  }
0x64: {  	_ =	shalt  }
0x65: {  	_ =	shalt  }
0x66: {  	_ =	shalt  }
0x67: {  	_ =	shalt  }
0x68: {  	_ =	shalt  }
0x69: {  	_ =	shalt  }
0x6a: {  	_ =	shalt  }
0x6b: {  	_ =	shalt  }
0x6c: {  	_ =	shalt  }
0x6d: {  	_ =	shalt  }
0x6e: {  	_ =	shalt  }
0x6f: {  	_ =	shalt  }
0x70: {  	_ =	shalt  }
0x71: {  	_ =	shalt  }
0x72: {  	_ =	shalt  }
0x73: {  	_ =	shalt  }
0x74: {  	_ =	shalt  }
0x75: {  	_ =	shalt  }
0x76: {  	_ =	shalt  }
0x77: {  	_ =	shalt  }
0x78: {  	_ =	shalt  }
0x79: {  	_ =	shalt  }
0x7a: {  	_ =	shalt  }
0x7b: {  	_ =	shalt  }
0x7c: {  	_ =	shalt  }
0x7d: {  	_ =	shalt  }
0x7e: {  	_ =	shalt  }
0x7f: {  	_ =	shalt  }
0x80: {  	_ =	shalt  }
0x81: {  	_ =	shalt  }
0x82: {  	_ =	shalt  }
0x83: {  	_ =	shalt  }
0x84: {  	_ =	shalt  }
0x85: {  	_ =	shalt  }
0x86: {  	_ =	shalt  }
0x87: {  	_ =	shalt  }
.Lfunc_end0:
.L_simem_size_0:
called_computation.3_lowered:
.L_overlay_start_0:
0x88: {  	s2 =	sld [smem:$0x3FD9]  }
0x89: {  	s3 =	sld [smem:$0x3FFE];
	_ =	sdelay $0x1  }
0x8a: {  	s1 =	srdreg.scid  }
0x8b: {  	s0 =	sand.u32 $0x1, s1  }
0x8c: {  	s17 =	sshll.u32 s0, $0xA;
	s2 =	sadd.s32 s3, s2  }
0x8d: {  	s2 =	sadd.s32 s2, s17  }
0x8e: {  	[smem:$0x3FBE] =	sst s2  }
0x8f: {  	_ = 	snop  }
0x90: {  	s2 =	sld [smem:$0x3FC7];
	(tm) =	ssettm $0x1  }
0x91: {  	s18 =	sld [smem:$0x3FFB];
	_ =	sdelay $0x3  }
0x92: {  	_ =	strace s18  }
0x93: {  	s3 =	sld [smem:$0x3FFC];
	_ =	sdelay $0x3  }
0x94: {  	_ =	strace s3  }
0x95: {  	s3 =	sld [smem:$0x3FFD];
	_ =	sdelay $0x3  }
0x96: {  	_ =	strace s3  }
0x97: {  	_ =	strace $0x8FFFFFFF  }
0x98: {  	s19 =	sld [smem:$0x3FDB];
	_ =	sdelay $0x1  }
0x99: {  	s4 =	simm.s32 $_scs_section_size  }
0x9a: {  	s5 =	simm.s32 $_size__tile_overlayer_lowered;
	s6 =	simm.s32 $_tile_overlayer_lowered  }
0x9b: {  	s22 =	simm.s32 $0x1BFF;
	s21 =	sshll.u32 s6, $0x1;
	s3 =	sadd.s32 s4, s19  }
0x9c: {  	s7 =	simm.s32 $0x0;
	s20 =	sshll.u32 s5, $0x1;
	s5 =	sadd.s32 s21, s3  }
0x9d: {  	[timem:s7], [sflag:s22] =	dma.local [hbm:s5], s20  }
0x9e: {  	_ =	swait.ge [sflag:s22], s20  }
0x9f: {  	s4 =	ssub.s32 $0x0, s20;
	[sflag:s22] =	ssyncset.done $0x0  }
0xa0: {  	[sflag:s22] =	ssyncadd.s32 s4;
	_ =	sdelay $0x1  }
0xa1: {  	s23 =	simm.s32 $0x1B8B  }
0xa2: {  	_ =	swait.ge [sflag:s23], $0x1  }
0xa3: {  	[sflag:s23] =	ssyncset.done $0x0  }
0xa4: {  	s25 =	simm.s32 $0x1B8E;
	s24 =	sld [smem:$0x3FFE];
	[sflag:s23] =	ssyncadd.s32 $0xFFFFFFFF  }
0xa5: {  	s26 =	simm.s32 $execute0_lowered;
	[smem:$0x3FD2] =	sst s25  }
0xa6: {  	s5 =	sshll.u32 s26, $0x1;
	_ =	strace $0x8000005D;
	[dreg:$0x1] =	wrdreg $0xFFFFFFFF  }
0xa7: {  	s28 =	simm.s32 $_size_execute0_lowered;
	s3 =	sadd.s32 s3, s5;
	[dreg:$0x0] =	wrdreg $0x0  }
0xa8: {  	s5 =	sshll.u32 s28, $0x1;
	[dreg:$0x2] =	wrdreg s3  }
0xa9: {  	[dreg:$0x3] =	wrdreg s5  }
0xaa: {  	[dreg:$0x4] =	wrdreg $0xC0  }
0xab: {  	_ =	task [dreg:s7], $0x5FFFF  }
0xac: {  	[dreg:$0x1] =	wrdreg $0xFFFFFFFF  }
0xad: {  	[dreg:$0x0] =	wrdreg $0x60  }
0xae: {  	[dreg:$0x2] =	wrdreg s24  }
0xaf: {  	[dreg:$0x3] =	wrdreg s2  }
0xb0: {  	[dreg:$0x4] =	wrdreg $0x9  }
0xb1: {  	_ =	task.clear_ibuf [dreg:s7], $0x5FFFF;
	_ =	strace $0x9000005D  }
0xb2: {  	s29 =	simm.s32 $0x9;
	_ =	strace $0x8000005F  }
0xb3: {  	_ =	swait.ge [sflag:s29], $0x1  }
0xb4: {  	[sflag:s29] =	ssyncadd.s32 $0xFFFFFFFF  }
0xb5: {  	_ =	strace $0x9000005F  }
0xb6: {  	_ =	sfence  }
0xb7: {  	s30 =	sld [smem:$0x0];
	_ =	sdelay $0x2  }
0xb8: {  	s31 =	sshll.u32 s1, $0xD;
	s1 =	sshrl.u32 s1, $0x2  }
0xb9: {  	s3 =	sand.u32 $0x4000, s31;
	s1 =	sadd.s32 s1, s30  }
0xba: {  	s0 =	sor.u32 s3, s0;
	s1 =	sshll.u32 s1, $0x11  }
0xbb: {  	s0 =	sor.u32 s1, s0  }
0xbc: {  	s0 =	sadd.s32 $0x8F2B, s0  }
0xbd: {  	[sflag:s0] =	ssyncadd.remote.s32 $0x1  }
0xbe: {  	_ =	sfence.sel $0xFFFF  }
0xbf: {  	[dreg:$0x0] =	wrdreg $0xFFFFFFFF;
	(pc) =	sbr.abs _section_cstart, $3  }
0xc0: {  	[dreg:$0x1] =	wrdreg $0xFFFFFFFF  }
0xc1: {  	_ =	task.clear_ibuf [dreg:s7], $0x2FFFF;
	_ =	strace $0x9FFFFFFF  }
0xc2: {  	(tm) =	ssettm $0x7FFFFFFF  }
0xc3: {  	_ =	shalt  }
tec
execute0_lowered:
.L_overlay_start_1:
0x0: {  	(tag) =	ssettag $0x1  }
0x1: {  	s5 =	rddreg [dreg:$0x0]  }
0x2: {  	s2 =	rddreg [dreg:$0x1]  }
0x3: {  	s0 =	rddreg [dreg:$0x2]  }
0x4: {  	s4 =	srdreg.scid;
	s1 =	stileid.u32;
	s3 =	simm.s32 $0x0  }
0x5: {  	s12 =	simm.s32 $0x2;
	s13 =	simm.s32 $0x400;
	s14 =	simm.s32 $0x4800  }
0x6: {  	s15 =	simm.s32 $0xC800;
	s16 =	simm.s32 $0x80;
	s17 =	simm.s32 $0x1  }
0x7: {  	s18 =	simm.s32 $0x14800;
	s19 =	simm.s32 $0x16A00;
	s20 =	simm.s32 $0x18C00  }
0x8: {  	s21 =	simm.s32 $0x0;
	s6 =	sand.u32 $0x1, s4;
	s30 =	sshll.u32 s1, $0x1  }
0x9: {  	[smem:$0x7FF] =	sst s3;
	s4 =	sadd.s32 $0x897800, s5;
	s7 =	sor.u32 s6, s30  }
0xa: {  	s6 =	ssub.s32 $0x2, s6;
	s8 =	smul.u32 $0x440, s7;
	s7 =	sshll.u32 s7, $0xC  }
0xb: {  	_ =	strace $0x8000005E;
	s31 =	sshrl.u32 s6, $0x1;
	s7 =	sadd.s32 s7, s5  }
0xc: {  	s11 =	ssub.s32 s6, s31;
	s10 =	sadd.s32 s8, s5;
	s6 =	sadd.s32 $0x3000, s7  }
0xd: {  	s7 =	sadd.s32 $0x23000, s7;
	s11 =	smax.u32 s11, $0x1;
	s5 =	sadd.s32 $0x89AA00, s10  }
0xe: {  	v0 =	vimm.f32 $0.0e+00;
	s8 =	sadd.s32 $0x43000, s10;
	s9 =	sadd.s32 $0x4B800, s10;
	s10 =	sadd.s32 $0x54000, s10  }
.LBB2_1:
0xf: {  	[tilespmem:s3], [sflag:$0x2] =	stream.linear.gather [hbm4b:s2+s3], $0x400, $0x38;
	[tilespmem:$0x1AE00] =	vst v63  }
0x10: {  	_ =	swait.ge [sflag:s12], $0x400  }
0x11: {  	[sflag:s12] =	ssyncset.done $0x0  }
0x12: {  	[sflag:s12] =	ssyncadd.s32 $0xFFFFFC00  }
0x13: {  	[tilespmem:s13], [sflag:$0x2] =	stream.linear.gather [hbm4b:s5+s3], $0x2200, $0x38;
	[tilespmem:$0x1AE00] =	vst v63  }
0x14: {  	_ =	swait.ge [sflag:s12], $0x2200  }
0x15: {  	[sflag:s12] =	ssyncset.done $0x0  }
0x16: {  	[sflag:s12] =	ssyncadd.s32 $0xFFFFDE00  }
0x17: {  	[tilespmem:s14], [sflag:$0x2] =	stream.linear.gather [hbm4b:s6+s3], $0x8000, $0x38;
	[tilespmem:$0x1AE00] =	vst v63  }
0x18: {  	_ =	swait.ge [sflag:s12], $0x8000  }
0x19: {  	[sflag:s12] =	ssyncset.done $0x0  }
0x1a: {  	[sflag:s12] =	ssyncadd.s32 $0xFFFF8000  }
0x1b: {  	[tilespmem:s15], [sflag:$0x2] =	stream.linear.gather [hbm4b:s7+s3], $0x8000, $0x38;
	[tilespmem:$0x1AE00] =	vst v63  }
0x1c: {  	_ =	swait.ge [sflag:s12], $0x8000  }
0x1d: {  	s22 =	simm.s32 $0x200;
	[sflag:s12] =	ssyncset.done $0x0  }
0x1e: {  	s23 =	simm.s32 $0x2600;
	s24 =	simm.s32 $0x400;
	[sflag:s12] =	ssyncadd.s32 $0xFFFF8000  }
.LBB2_2:
0x1f: {  	[tilespmem:s23], [sflag:$0x1] =	stream.indirect.gather [hbm4b:s4+s16], $0x1, s24, s16, $0xb8;
	[tilespmem:$0x1AE00] =	vst v63  }
0x20: {  	s23 =	smov.u32 s22;
	p0 =	sne.s32 s22, $0x8600  }
.Ltmp0:
0x21: {  	s22 =	sadd.s32 $0x200, s22;
	(pc) =	sbr.rel @p0 .LBB2_2-.Ltmp0, $3  }
0x22: {  	_ =	sdelay $0x1  }
0x23: {  	s24 =	sshra.s32 s23, $0x2  }
0x24: {  	s23 =	sadd.s32 $0x2600, s24;
	s24 =	sadd.s32 $0x400, s24  }
0x25: {  	[tilespmem:s23], [sflag:$0x1] =	stream.indirect.gather [hbm4b:s4+s16], $0x1, s24, s16, $0xb8;
	[tilespmem:$0x1AE00] =	vst v63  }
0x26: {  	s22 =	simm.s32 $0x0;
	s23 =	simm.s32 $0x2600;
	_ =	swait.ge [sflag:s17], $0x2200  }
0x27: {  	s24 =	simm.s32 $0x400;
	s25 =	simm.s32 $0x14800;
	[sflag:s17] =	ssyncset.done $0x0  }
0x28: {  	s26 =	simm.s32 $0x16A00;
	s28 =	simm.s32 $0x18C00;
	[sflag:s17] =	ssyncadd.s32 $0xFFFFDE00  }
.LBB2_4:
0x29: {  	v4 =	vmov s23  }
0x2a: {  	v6 =	vmov s24;
	_ =	sdelay $0x1  }
0x2b: {  	v1 =	vmov s22  }
0x2c: {  	s29 =	simm.s32 $0x0;
	v2 =	vshll.u32 v1, $0xA;
	v1 =	vshll.u32 v1, $0x7  }
0x2d: {  	v3 =	vmov s25;
	v2 =	vand.u32 $0x6000, v2;
	v1 =	vand.u32 $0x380, v1;
	v7 =	vld.idx.msk [tilespmem:v4+s29+$0x0 ss:$0x1], $0xffff  }
0x2e: {  	s30 =	simm.s32 $0x40;
	v5 =	vor.u32 v2, v1;
	v2 =	vmov s26;
	v1 =	vmov s28;
	v8 =	vld.idx.msk [tilespmem:v6+s29+$0x0 ss:$0x1], $0xffff  }
.LBB2_5:
0x2f: {  	p0 =	sne.s32 s30, $0x400;
	_ =	sdelay $0x3  }
0x30: {  	vm0 =	vgt.s32 v7, $0x0  }
0x31: {  	v9 =	vnsel vm0, $0x0, v7  }
0x32: {  	v9 =	vmin.u32 v9, $0x3FF;
	_ =	sdelay $0x1  }
0x33: {  	v10 =	vand.u32 $0x7F, v9;
	v11 =	vshll.u32 v9, $0x3  }
0x34: {  	v11 =	vand.u32 $0x1C00, v11;
	v10 =	vor.u32 v10, v5  }
0x35: {  	v10 =	vor.u32 v11, v10  }
0x36: {  	v9 =	vld.idx.msk [tilespmem:v9+s3+$0x0], $0xffff;
	_ =	sdelay $0x3  }
0x37: {  	v11 =	vld.idx.msk [tilespmem:v10+s14+$0x0], $0xffff  }
0x38: {  	v10 =	vld.idx.msk [tilespmem:v10+s15+$0x0], $0xffff  }
0x39: {  	vm1 =	vlt.u32 v7, $0x400;
	vm0 =	veq.s32 v9, v8  }
0x3a: {  	vm0 =	vmand vm1, vm0  }
0x3b: {  	v7 =	vsel vm0, $0x3F800000, v0  }
.Ltmp1:
0x3c: {  	[tilespmem:v3+s29+$0x0 ss:$0x1] =	vst.idx.msk $0xffff, v7;
	(pc) =	sbr.rel @p0 .LBB2_5-.Ltmp1, $4  }
0x3d: {  	[tilespmem:v2+s29+$0x0 ss:$0x1] =	vst.idx.msk $0xffff, v11  }
0x3e: {  	[tilespmem:v1+s29+$0x0 ss:$0x1] =	vst.idx.msk $0xffff, v10;
	s29 =	sshra.s32 s30, $0x2  }
0x3f: {  	v7 =	vld.idx.msk [tilespmem:v4+s29+$0x0 ss:$0x1], $0xffff  }
0x40: {  	s30 =	sadd.s32 $0x40, s30;
	v8 =	vld.idx.msk [tilespmem:v6+s29+$0x0 ss:$0x1], $0xffff  }
0x41: {  	_ =	sdelay $0x2  }
0x42: {  	vm0 =	vgt.s32 v7, $0x0  }
0x43: {  	v4 =	vnsel vm0, $0x0, v7  }
0x44: {  	v4 =	vmin.u32 v4, $0x3FF;
	_ =	sdelay $0x1  }
0x45: {  	v6 =	vand.u32 $0x7F, v4;
	v9 =	vshll.u32 v4, $0x3  }
0x46: {  	v9 =	vand.u32 $0x1C00, v9;
	v5 =	vor.u32 v6, v5  }
0x47: {  	v5 =	vor.u32 v9, v5  }
0x48: {  	v4 =	vld.idx.msk [tilespmem:v4+s3+$0x0], $0xffff;
	_ =	sdelay $0x3  }
0x49: {  	s22 =	sadd.s32 $0x1, s22;
	v62 =	vld.idx.msk [tilespmem:v5+s14+$0x0], $0xffff  }
0x4a: {  	p0 =	sne.s32 s22, $0x20;
	vm1 =	vlt.u32 v7, $0x400;
	v5 =	vld.idx.msk [tilespmem:v5+s15+$0x0], $0xffff;
	vm15 =	veq.s32 v4, v8  }
.Ltmp2:
0x4b: {  	vm0 =	vmand vm1, vm15;
	(pc) =	sbr.rel @p0 .LBB2_4-.Ltmp2, $4  }
0x4c: {  	v63 =	vsel vm0, $0x3F800000, v0  }
0x4d: {  	[tilespmem:v3+s29+$0x0 ss:$0x1] =	vst.idx.msk $0xffff, v63  }
0x4e: {  	s23 =	sadd.s32 $0x110, s23;
	s24 =	sadd.s32 $0x110, s24;
	[tilespmem:v2+s29+$0x0 ss:$0x1] =	vst.idx.msk $0xffff, v62  }
0x4f: {  	s25 =	sadd.s32 $0x110, s25;
	s26 =	sadd.s32 $0x110, s26;
	s28 =	sadd.s32 $0x110, s28;
	[tilespmem:v1+s29+$0x0 ss:$0x1] =	vst.idx.msk $0xffff, v5  }
0x50: {  	[hbm4b:s8+s3] =	stream.linear.scatter [tilespmem:s18], [sflag:$0x2], $0x2200, $0x38;
	[tilespmem:$0x1AE00] =	vst v63  }
0x51: {  	_ =	swait.ge [sflag:s12], $0x2200  }
0x52: {  	[sflag:s12] =	ssyncset.done $0x0  }
0x53: {  	[sflag:s12] =	ssyncadd.s32 $0xFFFFDE00  }
0x54: {  	[hbm4b:s9+s3] =	stream.linear.scatter [tilespmem:s19], [sflag:$0x2], $0x2200, $0x38;
	[tilespmem:$0x1AE00] =	vst v63  }
0x55: {  	s21 =	sadd.s32 $0x1, s21;
	_ =	swait.ge [sflag:s12], $0x2200  }
0x56: {  	p0 =	sne.s32 s21, s11;
	[sflag:s12] =	ssyncset.done $0x0  }
.Ltmp3:
0x57: {  	[sflag:s12] =	ssyncadd.s32 $0xFFFFDE00;
	(pc) =	sbr.rel @p0 .LBB2_1-.Ltmp3, $4  }
0x58: {  	[hbm4b:s10+s3] =	stream.linear.scatter [tilespmem:s20], [sflag:$0x2], $0x2200, $0x38;
	[tilespmem:$0x1AE00] =	vst v63  }
0x59: {  	_ =	swait.ge [sflag:s12], $0x2200  }
0x5a: {  	[sflag:s12] =	ssyncset.done $0x0  }
0x5b: {  	[sflag:s12] =	ssyncadd.s32 $0xFFFFDE00  }
0x5c: {  	_ =	sfence.sel $0x180000  }
0x5d: {  	[bflag:$0x0] =	sbarrier.arrive $0xFFFF  }
0x5e: {  	p0 =	sne.s32 s1, $0x0;
	_ =	strace $0x9000005E  }
0x5f: {  	s0 =	sadd.s32 @!p0 $0x100000, s0;
	[bflag:$0x2] =	sbarrier.arrive $0xFFFF  }
0x60: {  	[sflag:s0] =	ssyncadd.tile.s32 @!p0 $0x1;
	_ =	shalt  }
.Lfunc_end2:
_tile_overlayer_lowered:
.L_overlay_start_2:
0x61: {  	(tag) =	ssettag $0x2  }
0x62: {  	s0 =	rddreg [dreg:$0x0];
	s2 =	stileid.u32  }
0x63: {  	s1 =	rddreg [dreg:$0x1];
	p0 =	sne.s32 s2, $0x0  }
0x64: {  	s3 =	rddreg [dreg:$0x2];
	[bflag:$0x3] =	sbarrier.arrive $0xFFFF;
	s2 =	simm.s32 @!p0 $0x1C02  }
0x65: {  	[timem:s3], [sflag:s2] =	dma.local @!p0 [hbm:s0], s1  }
0x66: {  	s0 =	simm.s32 @!p0 $0x2  }
0x67: {  	_ =	swait.ge @!p0 [sflag:s0], s1  }
0x68: {  	s1 =	ssub.s32 @!p0 $0x0, s1;
	[sflag:s0] =	ssyncset.done @!p0 $0x0  }
0x69: {  	[sflag:s0] =	ssyncadd.s32 @!p0 s1  }
0x6a: {  	[bflag:$0x3] =	sbarrier.arrive $0xFFFF  }
0x6b: {  	_ =	shalt  }

</sc_bundles>
